<compile_context>
chip_gen: v7x
topology: tpu7x:2x2x1
jax: 0.10.2.dev20260603
libtpu: 0.0.44.dev20260713+nightly
codegen_flags: <defaults>
</compile_context>

<pallas_src>
import functools

import jax
import jax.numpy as jnp
from jax import lax
from jax.experimental import pallas as pl
from jax.experimental.pallas import tpu as pltpu
from jax.experimental.pallas import tpu_sc as plsc

N_NODES = 10000
D_IN = 128
D_H = 128
N_CLS = 64

NC = 2
NS = 16
NW = NC * NS

CH = 128
K = 6


def _mlp_body(x_ref, w1_ref, b1_ref, w2_ref, b2_ref, z_ref):
    h = jnp.dot(x_ref[...], w1_ref[...], preferred_element_type=jnp.float32)
    h = jnp.maximum(h + b1_ref[...], 0.0)
    z_ref[...] = jnp.dot(h, w2_ref[...], preferred_element_type=jnp.float32) + b2_ref[...]


def _node_mlp(x, W1, b1, W2, b2):
    n = x.shape[0]
    blk = 2000
    grid = (n // blk,)
    return pl.pallas_call(
        _mlp_body,
        grid=grid,
        in_specs=[
            pl.BlockSpec((blk, D_IN), lambda i: (i, 0)),
            pl.BlockSpec((D_IN, D_H), lambda i: (0, 0)),
            pl.BlockSpec((1, D_H), lambda i: (0, 0)),
            pl.BlockSpec((D_H, N_CLS), lambda i: (0, 0)),
            pl.BlockSpec((1, N_CLS), lambda i: (0, 0)),
        ],
        out_specs=pl.BlockSpec((blk, N_CLS), lambda i: (i, 0)),
        out_shape=jax.ShapeDtypeStruct((n, N_CLS), jnp.float32),
    )(x, W1, b1.reshape(1, D_H), W2, b2.reshape(1, N_CLS))


def _gcn_gather(z, ei):
    E = ei.shape[1]
    d = z.shape[1]
    per_w = E // NW
    n_full = per_w // CH
    tail = per_w - n_full * CH
    n_groups = n_full // K
    assert per_w * NW == E and n_groups * K == n_full and tail in (0, 16)

    mesh = plsc.VectorSubcoreMesh(core_axis_name="c", subcore_axis_name="s")

    @functools.partial(
        pl.kernel,
        mesh=mesh,
        compiler_params=pltpu.CompilerParams(
            use_tc_tiling_on_sc=False, needs_layout_passes=False),
        out_type=jax.ShapeDtypeStruct((E, d), jnp.float32),
        scratch_types=[
            pltpu.VMEM_SHARED((N_NODES, d), jnp.float32),
            pltpu.VMEM((N_NODES,), jnp.int32),
            pltpu.VMEM((per_w,), jnp.int32),
            pltpu.VMEM((K, CH), jnp.int32),
            pltpu.VMEM((K, CH, d), jnp.float32),
            pltpu.VMEM((16,), jnp.int32),
            pltpu.VMEM((16, d), jnp.float32),
            *([pltpu.SemaphoreType.DMA] * (2 * K + 1)),
        ],
    )
    def k(z_hbm, ei_hbm, out_hbm, zsh, colh_v, colw_v, ibuf, rbuf,
          tb_i, tb_r, *sems):
        gsems, wsems, tsem = sems[:K], sems[K:2 * K], sems[2 * K]
        wid = lax.axis_index("s") * NC + lax.axis_index("c")
        base = wid * per_w

        @pl.when(lax.axis_index("s") == 0)
        def _():
            pltpu.sync_copy(z_hbm, zsh)
        pltpu.sync_copy(ei_hbm.at[1, pl.ds(0, N_NODES)], colh_v)
        pltpu.sync_copy(ei_hbm.at[1, pl.ds(base, per_w)], colw_v)
        plsc.subcore_barrier()

        def compute_ibuf(slot, coff):
            for kk in range(CH // 16):
                cv = colw_v[pl.ds(coff + kk * 16, 16)]
                ibuf[slot, pl.ds(kk * 16, 16)] = plsc.load_gather(colh_v, [cv])

        def drain_writes(slot):
            pltpu.make_async_copy(
                rbuf.at[slot], out_hbm.at[pl.ds(0, CH)], wsems[slot]).wait()

        def group(g, carry):
            handles = []
            for b in range(K):
                @pl.when(g > 0)
                def _():
                    drain_writes(b)
                compute_ibuf(b, (g * K + b) * CH)
                handles.append(
                    pltpu.async_copy(zsh.at[ibuf.at[b]], rbuf.at[b], gsems[b]))
            for b in range(K):
                handles[b].wait()
                pltpu.async_copy(
                    rbuf.at[b],
                    out_hbm.at[pl.ds(base + (g * K + b) * CH, CH)],
                    wsems[b])
            return carry

        lax.fori_loop(0, n_groups, group, 0)
        for b in range(K):
            drain_writes(b)

        if tail:
            cv = colw_v[pl.ds(n_full * CH, 16)]
            tb_i[...] = plsc.load_gather(colh_v, [cv])
            pltpu.async_copy(zsh.at[tb_i], tb_r, tsem).wait()
            pltpu.sync_copy(tb_r, out_hbm.at[pl.ds(base + n_full * CH, 16)])

    return k(z, ei)


EC_BLK = 20


def _t_body(pe_ref, po_ref, in_ref, out_ref):
    pe = pe_ref[...]
    po = po_ref[...]
    x = in_ref[...]
    for e2 in range(EC_BLK):
        xs = x[e2 * 64:(e2 + 1) * 64, :]
        a = jax.lax.dot_general(xs[:, 0:64], pe, (((0,), (0,)), ((), ())),
                                preferred_element_type=jnp.float32)
        b = jax.lax.dot_general(xs[:, 64:128], po, (((0,), (0,)), ((), ())),
                                preferred_element_type=jnp.float32)
        out_ref[:, e2, :, :] = (a + b).reshape(8, 8, CH)


def _to_canonical(rows, E):
    NBLK = E // CH
    grid = (NBLK // EC_BLK,)
    rows2 = rows.reshape(E * N_CLS // CH, CH)
    c2 = jnp.arange(N_CLS, dtype=jnp.int32)[:, None]
    cc = jnp.arange(CH, dtype=jnp.int32)[None, :]
    pe = (cc == 2 * c2).astype(jnp.float32)
    po = (cc == 2 * c2 + 1).astype(jnp.float32)
    return pl.pallas_call(
        _t_body,
        grid=grid,
        in_specs=[
            pl.BlockSpec((N_CLS, CH), lambda i: (0, 0)),
            pl.BlockSpec((N_CLS, CH), lambda i: (0, 0)),
            pl.BlockSpec((EC_BLK * N_CLS, CH), lambda i: (i, 0)),
        ],
        out_specs=pl.BlockSpec((8, EC_BLK, 8, CH), lambda i: (0, i, 0, 0)),
        out_shape=jax.ShapeDtypeStruct((8, NBLK, 8, CH), jnp.float32),
    )(pe, po, rows2)


def kernel(x, edge_index, W1, b1, W2, b2):
    E = edge_index.shape[1]
    z = _node_mlp(x, W1, b1, W2, b2)
    rows = _gcn_gather(z, edge_index)
    a = _to_canonical(rows, E)
    return a.transpose(1, 3, 0, 2).reshape(E, N_CLS)

# --- scband reference (transcript-rebuilt; emitter-appended) ---
"""Pipeline reference for scband-gcn-22119081574524 (READ-ONLY COPY).

The authoritative reference and input builder live on the scoring server;
editing this copy changes nothing except your own understanding.
"""

import jax, jax.numpy as jnp
import numpy as np

N_NODES = 10000
N_EDGES = 320000
D_IN = 128
D_H = 128
N_CLS = 64


def setup_inputs(seed: int = 0) -> dict:
    key = jax.random.key(seed)
    k1, k2, k3, k4, k5, k6 = jax.random.split(key, 6)
    x = jax.random.normal(k1, (N_NODES, D_IN), dtype=jnp.float32)
    edge_index = jax.random.randint(k2, (2, N_EDGES), 0, N_NODES, dtype=jnp.int32)
    # nn.Linear params: y = x @ W.T + b. Store transposed weights for direct matmul.
    W1 = jax.random.normal(k3, (D_IN, D_H), dtype=jnp.float32) * (1.0 / np.sqrt(D_IN))
    b1 = jax.random.normal(k4, (D_H,), dtype=jnp.float32) * 0.01
    W2 = jax.random.normal(k5, (D_H, N_CLS), dtype=jnp.float32) * (1.0 / np.sqrt(D_H))
    b2 = jax.random.normal(k6, (N_CLS,), dtype=jnp.float32) * 0.01
    return {"x": x, "edge_index": edge_index, "W1": W1, "b1": b1, "W2": W2, "b2": b2}


def reference(x, edge_index, W1, b1, W2, b2):
    # GCNLayer 1: gather neighbor features by col index, then linear
    col = edge_index[1]
    neighbor_x = jnp.take(x, col, axis=0)          # [E, D_IN]
    h = neighbor_x @ W1 + b1                        # [E, D_H]
    h = jax.nn.relu(h)
    # GCNLayer 2: gathers rows of the edge-sized tensor with node indices
    # (faithful to the original module: col values < N_NODES <= E, so in range)
    neighbor_h = jnp.take(h, col, axis=0)           # [E, D_H]
    out = neighbor_h @ W2 + b2                      # [E, N_CLS]
    return out

if __name__ == "__main__":
    import jax
    _d = setup_inputs()
    print(jax.jit(kernel)(*tuple(_d.values())))

</pallas_src>

<mosaic_0001>
#map = affine_map<(d0, d1) -> (0, 0)>
module attributes {stable_mosaic.version = 14 : i64} {
  func.func @k(%arg0: i32, %arg1: i32, %arg2: memref<10000x64xf32, #tpu.memory_space<hbm>>, %arg3: memref<2x320000xi32, #tpu.memory_space<hbm>>, %arg4: memref<320000x64xf32, #tpu.memory_space<hbm>>, %arg5: memref<10000x64xf32, #tpu.memory_space<vmem_shared>>, %arg6: memref<10000xi32, #tpu.memory_space<vmem>>, %arg7: memref<10000xi32, #tpu.memory_space<vmem>>, %arg8: memref<6x128xi32, #tpu.memory_space<vmem>>, %arg9: memref<6x128x64xf32, #tpu.memory_space<vmem>>, %arg10: memref<16xi32, #tpu.memory_space<vmem>>, %arg11: memref<16x64xf32, #tpu.memory_space<vmem>>, %arg12: memref<!tpu.dma_semaphore, #tpu.memory_space<semaphore_mem>>, %arg13: memref<!tpu.dma_semaphore, #tpu.memory_space<semaphore_mem>>, %arg14: memref<!tpu.dma_semaphore, #tpu.memory_space<semaphore_mem>>, %arg15: memref<!tpu.dma_semaphore, #tpu.memory_space<semaphore_mem>>, %arg16: memref<!tpu.dma_semaphore, #tpu.memory_space<semaphore_mem>>, %arg17: memref<!tpu.dma_semaphore, #tpu.memory_space<semaphore_mem>>, %arg18: memref<!tpu.dma_semaphore, #tpu.memory_space<semaphore_mem>>, %arg19: memref<!tpu.dma_semaphore, #tpu.memory_space<semaphore_mem>>, %arg20: memref<!tpu.dma_semaphore, #tpu.memory_space<semaphore_mem>>, %arg21: memref<!tpu.dma_semaphore, #tpu.memory_space<semaphore_mem>>, %arg22: memref<!tpu.dma_semaphore, #tpu.memory_space<semaphore_mem>>, %arg23: memref<!tpu.dma_semaphore, #tpu.memory_space<semaphore_mem>>, %arg24: memref<!tpu.dma_semaphore, #tpu.memory_space<semaphore_mem>>) attributes {dimension_semantics = [#tpu.dimension_semantics<core_parallel>, #tpu.dimension_semantics<subcore_parallel>], iteration_bounds = array<i64: 2, 16>, scalar_prefetch = 0 : i64, scratch_operands = 20 : i64, tpu.core_type = #tpu.core_type<sc_vector_subcore>, window_params = [{transform_indices = #map}, {transform_indices = #map}, {transform_indices = #map}]} {
    %mul3A = arith.constant 2 : i32
    %mul3A_0 = arith.muli %arg1, %mul3A : i32
    %add3A = arith.addi %mul3A_0, %arg0 : i32
    %mul3A_1 = arith.constant 10000 : i32
    %mul3A_2 = arith.muli %add3A, %mul3A_1 : i32
    %eq3A = arith.constant 0 : i32
    %eq3A_3 = arith.cmpi eq, %arg1, %eq3A : i32
    %convert_element_type3A = arith.extui %eq3A_3 : i1 to i32
    %cond3A = arith.constant 0 : i32
    %cond3A_4 = arith.cmpi ne, %convert_element_type3A, %cond3A : i32
    scf.if %cond3A_4 {
      "tpu.region"() ({
        %run_scoped3A_109 = tpu.sem_alloc : memref<!tpu.dma_semaphore, #tpu.memory_space<semaphore_mem>>
        tpu.enqueue_dma source(%arg2 : memref<10000x64xf32, #tpu.memory_space<hbm>>) target(%arg5 : memref<10000x64xf32, #tpu.memory_space<vmem_shared>>) target_semaphore(%run_scoped3A_109 : memref<!tpu.dma_semaphore, #tpu.memory_space<semaphore_mem>>)
        tpu.wait_dma2 semaphore(%run_scoped3A_109 : memref<!tpu.dma_semaphore, #tpu.memory_space<semaphore_mem>>) src(%arg2 : memref<10000x64xf32, #tpu.memory_space<hbm>>) dst(%arg5 : memref<10000x64xf32, #tpu.memory_space<vmem_shared>>)
        tpu.yield
      }) : () -> ()
    } else {
    }
    %run_scoped3A = arith.constant 1 : i32
    "tpu.region"() ({
      %run_scoped3A_109 = tpu.sem_alloc : memref<!tpu.dma_semaphore, #tpu.memory_space<semaphore_mem>>
      %dma_start3A_110 = arith.constant 0 : i32
      %dma_start3A_111 = tpu.memref_slice %arg3[%run_scoped3A, %dma_start3A_110] : memref<2x320000xi32, #tpu.memory_space<hbm>> -> memref<1x10000xi32, #tpu.memory_space<hbm>>
      %dma_start3A_112 = tpu.memref_squeeze %dma_start3A_111 : memref<1x10000xi32, #tpu.memory_space<hbm>> -> memref<10000xi32, #tpu.memory_space<hbm>>
      %dma_start3A_113 = arith.constant 0 : i32
      %dma_start3A_114 = tpu.memref_slice %arg3[%run_scoped3A, %dma_start3A_113] : memref<2x320000xi32, #tpu.memory_space<hbm>> -> memref<1x10000xi32, #tpu.memory_space<hbm>>
      %dma_start3A_115 = tpu.memref_squeeze %dma_start3A_114 : memref<1x10000xi32, #tpu.memory_space<hbm>> -> memref<10000xi32, #tpu.memory_space<hbm>>
      tpu.enqueue_dma source(%dma_start3A_115 : memref<10000xi32, #tpu.memory_space<hbm>>) target(%arg6 : memref<10000xi32, #tpu.memory_space<vmem>>) target_semaphore(%run_scoped3A_109 : memref<!tpu.dma_semaphore, #tpu.memory_space<semaphore_mem>>)
      %dma_wait3A_116 = arith.constant 0 : i32
      %dma_wait3A_117 = tpu.memref_slice %arg3[%run_scoped3A, %dma_wait3A_116] : memref<2x320000xi32, #tpu.memory_space<hbm>> -> memref<1x10000xi32, #tpu.memory_space<hbm>>
      %dma_wait3A_118 = tpu.memref_squeeze %dma_wait3A_117 : memref<1x10000xi32, #tpu.memory_space<hbm>> -> memref<10000xi32, #tpu.memory_space<hbm>>
      %dma_wait3A_119 = arith.constant 0 : i32
      %dma_wait3A_120 = tpu.memref_slice %arg3[%run_scoped3A, %dma_wait3A_119] : memref<2x320000xi32, #tpu.memory_space<hbm>> -> memref<1x10000xi32, #tpu.memory_space<hbm>>
      %dma_wait3A_121 = tpu.memref_squeeze %dma_wait3A_120 : memref<1x10000xi32, #tpu.memory_space<hbm>> -> memref<10000xi32, #tpu.memory_space<hbm>>
      tpu.wait_dma2 semaphore(%run_scoped3A_109 : memref<!tpu.dma_semaphore, #tpu.memory_space<semaphore_mem>>) src(%dma_wait3A_121 : memref<10000xi32, #tpu.memory_space<hbm>>) dst(%arg6 : memref<10000xi32, #tpu.memory_space<vmem>>)
      tpu.yield
    }) : () -> ()
    %run_scoped3A_5 = arith.constant 1 : i32
    "tpu.region"() ({
      %run_scoped3A_109 = tpu.sem_alloc : memref<!tpu.dma_semaphore, #tpu.memory_space<semaphore_mem>>
      %dma_start3A_110 = tpu.memref_slice %arg3[%run_scoped3A_5, %mul3A_2] : memref<2x320000xi32, #tpu.memory_space<hbm>> -> memref<1x10000xi32, #tpu.memory_space<hbm>>
      %dma_start3A_111 = tpu.memref_squeeze %dma_start3A_110 : memref<1x10000xi32, #tpu.memory_space<hbm>> -> memref<10000xi32, #tpu.memory_space<hbm>>
      %dma_start3A_112 = tpu.memref_slice %arg3[%run_scoped3A_5, %mul3A_2] : memref<2x320000xi32, #tpu.memory_space<hbm>> -> memref<1x10000xi32, #tpu.memory_space<hbm>>
      %dma_start3A_113 = tpu.memref_squeeze %dma_start3A_112 : memref<1x10000xi32, #tpu.memory_space<hbm>> -> memref<10000xi32, #tpu.memory_space<hbm>>
      tpu.enqueue_dma source(%dma_start3A_113 : memref<10000xi32, #tpu.memory_space<hbm>>) target(%arg7 : memref<10000xi32, #tpu.memory_space<vmem>>) target_semaphore(%run_scoped3A_109 : memref<!tpu.dma_semaphore, #tpu.memory_space<semaphore_mem>>)
      %dma_wait3A_114 = tpu.memref_slice %arg3[%run_scoped3A_5, %mul3A_2] : memref<2x320000xi32, #tpu.memory_space<hbm>> -> memref<1x10000xi32, #tpu.memory_space<hbm>>
      %dma_wait3A_115 = tpu.memref_squeeze %dma_wait3A_114 : memref<1x10000xi32, #tpu.memory_space<hbm>> -> memref<10000xi32, #tpu.memory_space<hbm>>
      %dma_wait3A_116 = tpu.memref_slice %arg3[%run_scoped3A_5, %mul3A_2] : memref<2x320000xi32, #tpu.memory_space<hbm>> -> memref<1x10000xi32, #tpu.memory_space<hbm>>
      %dma_wait3A_117 = tpu.memref_squeeze %dma_wait3A_116 : memref<1x10000xi32, #tpu.memory_space<hbm>> -> memref<10000xi32, #tpu.memory_space<hbm>>
      tpu.wait_dma2 semaphore(%run_scoped3A_109 : memref<!tpu.dma_semaphore, #tpu.memory_space<semaphore_mem>>) src(%dma_wait3A_117 : memref<10000xi32, #tpu.memory_space<hbm>>) dst(%arg7 : memref<10000xi32, #tpu.memory_space<vmem>>)
      tpu.yield
    }) : () -> ()
    %barrier3A = arith.constant 0 : index
    tpu.barrier barrier_id(%barrier3A)
    %scan3A = arith.constant 0 : i32
    %scan3A_6 = arith.constant 0 : i32
    %scan3A_7 = arith.constant 13 : i32
    %scan3A_8 = arith.addi %scan3A_6, %scan3A_7 : i32
    %scan3A_9 = arith.constant 1 : i32
    scf.for %scan3A_109 = %scan3A_6 to %scan3A_8 step %scan3A_9  : i32 {
      %gt3A = arith.constant 0 : i32
      %gt3A_110 = arith.cmpi sgt, %scan3A_109, %gt3A : i32
      %convert_element_type3A_111 = arith.extui %gt3A_110 : i1 to i32
      %cond3A_112 = arith.constant 0 : i32
      %cond3A_113 = arith.cmpi ne, %convert_element_type3A_111, %cond3A_112 : i32
      scf.if %cond3A_113 {
        %dma_wait3A_871 = arith.constant 0 : i32
        %dma_wait3A_872 = arith.constant 0 : i32
        %dma_wait3A_873 = arith.constant 0 : i32
        %dma_wait3A_874 = tpu.memref_slice %arg9[%dma_wait3A_871, %dma_wait3A_872, %dma_wait3A_873] : memref<6x128x64xf32, #tpu.memory_space<vmem>> -> memref<1x128x64xf32, #tpu.memory_space<vmem>>
        %dma_wait3A_875 = tpu.memref_squeeze %dma_wait3A_874 : memref<1x128x64xf32, #tpu.memory_space<vmem>> -> memref<128x64xf32, #tpu.memory_space<vmem>>
        %dma_wait3A_876 = arith.constant 0 : i32
        %dma_wait3A_877 = arith.constant 0 : i32
        %dma_wait3A_878 = tpu.memref_slice %arg4[%dma_wait3A_876, %dma_wait3A_877] : memref<320000x64xf32, #tpu.memory_space<hbm>> -> memref<128x64xf32, #tpu.memory_space<hbm>>
        %dma_wait3A_879 = arith.constant 0 : i32
        %dma_wait3A_880 = arith.constant 0 : i32
        %dma_wait3A_881 = tpu.memref_slice %arg4[%dma_wait3A_879, %dma_wait3A_880] : memref<320000x64xf32, #tpu.memory_space<hbm>> -> memref<128x64xf32, #tpu.memory_space<hbm>>
        %dma_wait3A_882 = arith.constant 0 : i32
        %dma_wait3A_883 = arith.constant 0 : i32
        %dma_wait3A_884 = tpu.memref_slice %arg9[%dma_wait3A_871, %dma_wait3A_882, %dma_wait3A_883] : memref<6x128x64xf32, #tpu.memory_space<vmem>> -> memref<1x128x64xf32, #tpu.memory_space<vmem>>
        %dma_wait3A_885 = tpu.memref_squeeze %dma_wait3A_884 : memref<1x128x64xf32, #tpu.memory_space<vmem>> -> memref<128x64xf32, #tpu.memory_space<vmem>>
        tpu.wait_dma2 semaphore(%arg18 : memref<!tpu.dma_semaphore, #tpu.memory_space<semaphore_mem>>) src(%dma_wait3A_885 : memref<128x64xf32, #tpu.memory_space<vmem>>) dst(%dma_wait3A_881 : memref<128x64xf32, #tpu.memory_space<hbm>>)
      } else {
      }
      %mul3A_114 = arith.constant 6 : i32
      %mul3A_115 = arith.muli %scan3A_109, %mul3A_114 : i32
      %add3A_116 = arith.constant 0 : i32
      %add3A_117 = arith.addi %mul3A_115, %add3A_116 : i32
      %mul3A_118 = arith.constant 128 : i32
      %mul3A_119 = arith.muli %add3A_117, %mul3A_118 : i32
      %add3A_120 = arith.constant 0 : i32
      %add3A_121 = arith.addi %mul3A_119, %add3A_120 : i32
      %get3A_122 = arith.index_cast %add3A_121 : i32 to index
      %get3A_123 = tpu.vector_load %arg7[%get3A_122] {strides = array<i32>} : memref<10000xi32, #tpu.memory_space<vmem>>, vector<16xi32>,
      %gather3A_124 = tpu.vector_load_idx %arg6[%get3A_123] : memref<10000xi32, #tpu.memory_space<vmem>>[vector<16xi32>], vector<16xi32>,
      %swap3A_125 = arith.constant 0 : i32
      %swap3A_126 = arith.index_cast %swap3A_125 : i32 to index
      %swap3A_127 = arith.constant 0 : index
      %swap3A_128 = tpu.vector_load %arg8[%swap3A_126, %swap3A_127] {strides = array<i32>} : memref<6x128xi32, #tpu.memory_space<vmem>>, vector<16xi32>,
      tpu.vector_store %arg8[%swap3A_126, %swap3A_127], %gather3A_124 {strides = array<i32>} : memref<6x128xi32, #tpu.memory_space<vmem>>, vector<16xi32>,
      %add3A_129 = arith.constant 16 : i32
      %add3A_130 = arith.addi %mul3A_119, %add3A_129 : i32
      %get3A_131 = arith.index_cast %add3A_130 : i32 to index
      %get3A_132 = tpu.vector_load %arg7[%get3A_131] {strides = array<i32>} : memref<10000xi32, #tpu.memory_space<vmem>>, vector<16xi32>,
      %gather3A_133 = tpu.vector_load_idx %arg6[%get3A_132] : memref<10000xi32, #tpu.memory_space<vmem>>[vector<16xi32>], vector<16xi32>,
      %swap3A_134 = arith.constant 0 : i32
      %swap3A_135 = arith.index_cast %swap3A_134 : i32 to index
      %swap3A_136 = arith.constant 16 : index
      %swap3A_137 = tpu.vector_load %arg8[%swap3A_135, %swap3A_136] {strides = array<i32>} : memref<6x128xi32, #tpu.memory_space<vmem>>, vector<16xi32>,
      tpu.vector_store %arg8[%swap3A_135, %swap3A_136], %gather3A_133 {strides = array<i32>} : memref<6x128xi32, #tpu.memory_space<vmem>>, vector<16xi32>,
      %add3A_138 = arith.constant 32 : i32
      %add3A_139 = arith.addi %mul3A_119, %add3A_138 : i32
      %get3A_140 = arith.index_cast %add3A_139 : i32 to index
      %get3A_141 = tpu.vector_load %arg7[%get3A_140] {strides = array<i32>} : memref<10000xi32, #tpu.memory_space<vmem>>, vector<16xi32>,
      %gather3A_142 = tpu.vector_load_idx %arg6[%get3A_141] : memref<10000xi32, #tpu.memory_space<vmem>>[vector<16xi32>], vector<16xi32>,
      %swap3A_143 = arith.constant 0 : i32
      %swap3A_144 = arith.index_cast %swap3A_143 : i32 to index
      %swap3A_145 = arith.constant 32 : index
      %swap3A_146 = tpu.vector_load %arg8[%swap3A_144, %swap3A_145] {strides = array<i32>} : memref<6x128xi32, #tpu.memory_space<vmem>>, vector<16xi32>,
      tpu.vector_store %arg8[%swap3A_144, %swap3A_145], %gather3A_142 {strides = array<i32>} : memref<6x128xi32, #tpu.memory_space<vmem>>, vector<16xi32>,
      %add3A_147 = arith.constant 48 : i32
      %add3A_148 = arith.addi %mul3A_119, %add3A_147 : i32
      %get3A_149 = arith.index_cast %add3A_148 : i32 to index
      %get3A_150 = tpu.vector_load %arg7[%get3A_149] {strides = array<i32>} : memref<10000xi32, #tpu.memory_space<vmem>>, vector<16xi32>,
      %gather3A_151 = tpu.vector_load_idx %arg6[%get3A_150] : memref<10000xi32, #tpu.memory_space<vmem>>[vector<16xi32>], vector<16xi32>,
      %swap3A_152 = arith.constant 0 : i32
      %swap3A_153 = arith.index_cast %swap3A_152 : i32 to index
      %swap3A_154 = arith.constant 48 : index
      %swap3A_155 = tpu.vector_load %arg8[%swap3A_153, %swap3A_154] {strides = array<i32>} : memref<6x128xi32, #tpu.memory_space<vmem>>, vector<16xi32>,
      tpu.vector_store %arg8[%swap3A_153, %swap3A_154], %gather3A_151 {strides = array<i32>} : memref<6x128xi32, #tpu.memory_space<vmem>>, vector<16xi32>,
      %add3A_156 = arith.constant 64 : i32
      %add3A_157 = arith.addi %mul3A_119, %add3A_156 : i32
      %get3A_158 = arith.index_cast %add3A_157 : i32 to index
      %get3A_159 = tpu.vector_load %arg7[%get3A_158] {strides = array<i32>} : memref<10000xi32, #tpu.memory_space<vmem>>, vector<16xi32>,
      %gather3A_160 = tpu.vector_load_idx %arg6[%get3A_159] : memref<10000xi32, #tpu.memory_space<vmem>>[vector<16xi32>], vector<16xi32>,
      %swap3A_161 = arith.constant 0 : i32
      %swap3A_162 = arith.index_cast %swap3A_161 : i32 to index
      %swap3A_163 = arith.constant 64 : index
      %swap3A_164 = tpu.vector_load %arg8[%swap3A_162, %swap3A_163] {strides = array<i32>} : memref<6x128xi32, #tpu.memory_space<vmem>>, vector<16xi32>,
      tpu.vector_store %arg8[%swap3A_162, %swap3A_163], %gather3A_160 {strides = array<i32>} : memref<6x128xi32, #tpu.memory_space<vmem>>, vector<16xi32>,
      %add3A_165 = arith.constant 80 : i32
      %add3A_166 = arith.addi %mul3A_119, %add3A_165 : i32
      %get3A_167 = arith.index_cast %add3A_166 : i32 to index
      %get3A_168 = tpu.vector_load %arg7[%get3A_167] {strides = array<i32>} : memref<10000xi32, #tpu.memory_space<vmem>>, vector<16xi32>,
      %gather3A_169 = tpu.vector_load_idx %arg6[%get3A_168] : memref<10000xi32, #tpu.memory_space<vmem>>[vector<16xi32>], vector<16xi32>,
      %swap3A_170 = arith.constant 0 : i32
      %swap3A_171 = arith.index_cast %swap3A_170 : i32 to index
      %swap3A_172 = arith.constant 80 : index
      %swap3A_173 = tpu.vector_load %arg8[%swap3A_171, %swap3A_172] {strides = array<i32>} : memref<6x128xi32, #tpu.memory_space<vmem>>, vector<16xi32>,
      tpu.vector_store %arg8[%swap3A_171, %swap3A_172], %gather3A_169 {strides = array<i32>} : memref<6x128xi32, #tpu.memory_space<vmem>>, vector<16xi32>,
      %add3A_174 = arith.constant 96 : i32
      %add3A_175 = arith.addi %mul3A_119, %add3A_174 : i32
      %get3A_176 = arith.index_cast %add3A_175 : i32 to index
      %get3A_177 = tpu.vector_load %arg7[%get3A_176] {strides = array<i32>} : memref<10000xi32, #tpu.memory_space<vmem>>, vector<16xi32>,
      %gather3A_178 = tpu.vector_load_idx %arg6[%get3A_177] : memref<10000xi32, #tpu.memory_space<vmem>>[vector<16xi32>], vector<16xi32>,
      %swap3A_179 = arith.constant 0 : i32
      %swap3A_180 = arith.index_cast %swap3A_179 : i32 to index
      %swap3A_181 = arith.constant 96 : index
      %swap3A_182 = tpu.vector_load %arg8[%swap3A_180, %swap3A_181] {strides = array<i32>} : memref<6x128xi32, #tpu.memory_space<vmem>>, vector<16xi32>,
      tpu.vector_store %arg8[%swap3A_180, %swap3A_181], %gather3A_178 {strides = array<i32>} : memref<6x128xi32, #tpu.memory_space<vmem>>, vector<16xi32>,
      %add3A_183 = arith.constant 112 : i32
      %add3A_184 = arith.addi %mul3A_119, %add3A_183 : i32
      %get3A_185 = arith.index_cast %add3A_184 : i32 to index
      %get3A_186 = tpu.vector_load %arg7[%get3A_185] {strides = array<i32>} : memref<10000xi32, #tpu.memory_space<vmem>>, vector<16xi32>,
      %gather3A_187 = tpu.vector_load_idx %arg6[%get3A_186] : memref<10000xi32, #tpu.memory_space<vmem>>[vector<16xi32>], vector<16xi32>,
      %swap3A_188 = arith.constant 0 : i32
      %swap3A_189 = arith.index_cast %swap3A_188 : i32 to index
      %swap3A_190 = arith.constant 112 : index
      %swap3A_191 = tpu.vector_load %arg8[%swap3A_189, %swap3A_190] {strides = array<i32>} : memref<6x128xi32, #tpu.memory_space<vmem>>, vector<16xi32>,
      tpu.vector_store %arg8[%swap3A_189, %swap3A_190], %gather3A_187 {strides = array<i32>} : memref<6x128xi32, #tpu.memory_space<vmem>>, vector<16xi32>,
      %dma_start3A_192 = arith.constant 0 : i32
      %dma_start3A_193 = arith.constant 0 : i32
      %dma_start3A_194 = arith.constant 0 : i32
      %dma_start3A_195 = arith.constant 0 : i32
      %dma_start3A_196 = tpu.memref_slice %arg9[%dma_start3A_193, %dma_start3A_194, %dma_start3A_195] : memref<6x128x64xf32, #tpu.memory_space<vmem>> -> memref<1x128x64xf32, #tpu.memory_space<vmem>>
      %dma_start3A_197 = tpu.memref_squeeze %dma_start3A_196 : memref<1x128x64xf32, #tpu.memory_space<vmem>> -> memref<128x64xf32, #tpu.memory_space<vmem>>
      %dma_start3A_198 = arith.constant 0 : i32
      %dma_start3A_199 = tpu.memref_slice %arg8[%dma_start3A_192, %dma_start3A_198] : memref<6x128xi32, #tpu.memory_space<vmem>> -> memref<1x128xi32, #tpu.memory_space<vmem>>
      %dma_start3A_200 = tpu.memref_squeeze %dma_start3A_199 : memref<1x128xi32, #tpu.memory_space<vmem>> -> memref<128xi32, #tpu.memory_space<vmem>>
      %dma_start3A_201 = arith.constant 0 : i32
      %dma_start3A_202 = arith.constant 0 : i32
      %dma_start3A_203 = tpu.memref_slice %arg5[%dma_start3A_201, %dma_start3A_202] : memref<10000x64xf32, #tpu.memory_space<vmem_shared>> -> memref<10000x64xf32, #tpu.memory_space<vmem_shared>>
      tpu.enqueue_indirect_dma source(%dma_start3A_203 : memref<10000x64xf32, #tpu.memory_space<vmem_shared>>) target(%dma_start3A_197 : memref<128x64xf32, #tpu.memory_space<vmem>>) offsets(%dma_start3A_200 : memref<128xi32, #tpu.memory_space<vmem>>) semaphore(%arg12 : memref<!tpu.dma_semaphore, #tpu.memory_space<semaphore_mem>>)
      %gt3A_204 = arith.constant 0 : i32
      %gt3A_205 = arith.cmpi sgt, %scan3A_109, %gt3A_204 : i32
      %convert_element_type3A_206 = arith.extui %gt3A_205 : i1 to i32
      %cond3A_207 = arith.constant 0 : i32
      %cond3A_208 = arith.cmpi ne, %convert_element_type3A_206, %cond3A_207 : i32
      scf.if %cond3A_208 {
        %dma_wait3A_871 = arith.constant 1 : i32
        %dma_wait3A_872 = arith.constant 0 : i32
        %dma_wait3A_873 = arith.constant 0 : i32
        %dma_wait3A_874 = tpu.memref_slice %arg9[%dma_wait3A_871, %dma_wait3A_872, %dma_wait3A_873] : memref<6x128x64xf32, #tpu.memory_space<vmem>> -> memref<1x128x64xf32, #tpu.memory_space<vmem>>
        %dma_wait3A_875 = tpu.memref_squeeze %dma_wait3A_874 : memref<1x128x64xf32, #tpu.memory_space<vmem>> -> memref<128x64xf32, #tpu.memory_space<vmem>>
        %dma_wait3A_876 = arith.constant 0 : i32
        %dma_wait3A_877 = arith.constant 0 : i32
        %dma_wait3A_878 = tpu.memref_slice %arg4[%dma_wait3A_876, %dma_wait3A_877] : memref<320000x64xf32, #tpu.memory_space<hbm>> -> memref<128x64xf32, #tpu.memory_space<hbm>>
        %dma_wait3A_879 = arith.constant 0 : i32
        %dma_wait3A_880 = arith.constant 0 : i32
        %dma_wait3A_881 = tpu.memref_slice %arg4[%dma_wait3A_879, %dma_wait3A_880] : memref<320000x64xf32, #tpu.memory_space<hbm>> -> memref<128x64xf32, #tpu.memory_space<hbm>>
        %dma_wait3A_882 = arith.constant 0 : i32
        %dma_wait3A_883 = arith.constant 0 : i32
        %dma_wait3A_884 = tpu.memref_slice %arg9[%dma_wait3A_871, %dma_wait3A_882, %dma_wait3A_883] : memref<6x128x64xf32, #tpu.memory_space<vmem>> -> memref<1x128x64xf32, #tpu.memory_space<vmem>>
        %dma_wait3A_885 = tpu.memref_squeeze %dma_wait3A_884 : memref<1x128x64xf32, #tpu.memory_space<vmem>> -> memref<128x64xf32, #tpu.memory_space<vmem>>
        tpu.wait_dma2 semaphore(%arg19 : memref<!tpu.dma_semaphore, #tpu.memory_space<semaphore_mem>>) src(%dma_wait3A_885 : memref<128x64xf32, #tpu.memory_space<vmem>>) dst(%dma_wait3A_881 : memref<128x64xf32, #tpu.memory_space<hbm>>)
      } else {
      }
      %mul3A_209 = arith.constant 6 : i32
      %mul3A_210 = arith.muli %scan3A_109, %mul3A_209 : i32
      %add3A_211 = arith.constant 1 : i32
      %add3A_212 = arith.addi %mul3A_210, %add3A_211 : i32
      %mul3A_213 = arith.constant 128 : i32
      %mul3A_214 = arith.muli %add3A_212, %mul3A_213 : i32
      %add3A_215 = arith.constant 0 : i32
      %add3A_216 = arith.addi %mul3A_214, %add3A_215 : i32
      %get3A_217 = arith.index_cast %add3A_216 : i32 to index
      %get3A_218 = tpu.vector_load %arg7[%get3A_217] {strides = array<i32>} : memref<10000xi32, #tpu.memory_space<vmem>>, vector<16xi32>,
      %gather3A_219 = tpu.vector_load_idx %arg6[%get3A_218] : memref<10000xi32, #tpu.memory_space<vmem>>[vector<16xi32>], vector<16xi32>,
      %swap3A_220 = arith.constant 1 : i32
      %swap3A_221 = arith.index_cast %swap3A_220 : i32 to index
      %swap3A_222 = arith.constant 0 : index
      %swap3A_223 = tpu.vector_load %arg8[%swap3A_221, %swap3A_222] {strides = array<i32>} : memref<6x128xi32, #tpu.memory_space<vmem>>, vector<16xi32>,
      tpu.vector_store %arg8[%swap3A_221, %swap3A_222], %gather3A_219 {strides = array<i32>} : memref<6x128xi32, #tpu.memory_space<vmem>>, vector<16xi32>,
      %add3A_224 = arith.constant 16 : i32
      %add3A_225 = arith.addi %mul3A_214, %add3A_224 : i32
      %get3A_226 = arith.index_cast %add3A_225 : i32 to index
      %get3A_227 = tpu.vector_load %arg7[%get3A_226] {strides = array<i32>} : memref<10000xi32, #tpu.memory_space<vmem>>, vector<16xi32>,
      %gather3A_228 = tpu.vector_load_idx %arg6[%get3A_227] : memref<10000xi32, #tpu.memory_space<vmem>>[vector<16xi32>], vector<16xi32>,
      %swap3A_229 = arith.constant 1 : i32
      %swap3A_230 = arith.index_cast %swap3A_229 : i32 to index
      %swap3A_231 = arith.constant 16 : index
      %swap3A_232 = tpu.vector_load %arg8[%swap3A_230, %swap3A_231] {strides = array<i32>} : memref<6x128xi32, #tpu.memory_space<vmem>>, vector<16xi32>,
      tpu.vector_store %arg8[%swap3A_230, %swap3A_231], %gather3A_228 {strides = array<i32>} : memref<6x128xi32, #tpu.memory_space<vmem>>, vector<16xi32>,
      %add3A_233 = arith.constant 32 : i32
      %add3A_234 = arith.addi %mul3A_214, %add3A_233 : i32
      %get3A_235 = arith.index_cast %add3A_234 : i32 to index
      %get3A_236 = tpu.vector_load %arg7[%get3A_235] {strides = array<i32>} : memref<10000xi32, #tpu.memory_space<vmem>>, vector<16xi32>,
      %gather3A_237 = tpu.vector_load_idx %arg6[%get3A_236] : memref<10000xi32, #tpu.memory_space<vmem>>[vector<16xi32>], vector<16xi32>,
      %swap3A_238 = arith.constant 1 : i32
      %swap3A_239 = arith.index_cast %swap3A_238 : i32 to index
      %swap3A_240 = arith.constant 32 : index
      %swap3A_241 = tpu.vector_load %arg8[%swap3A_239, %swap3A_240] {strides = array<i32>} : memref<6x128xi32, #tpu.memory_space<vmem>>, vector<16xi32>,
      tpu.vector_store %arg8[%swap3A_239, %swap3A_240], %gather3A_237 {strides = array<i32>} : memref<6x128xi32, #tpu.memory_space<vmem>>, vector<16xi32>,
      %add3A_242 = arith.constant 48 : i32
      %add3A_243 = arith.addi %mul3A_214, %add3A_242 : i32
      %get3A_244 = arith.index_cast %add3A_243 : i32 to index
      %get3A_245 = tpu.vector_load %arg7[%get3A_244] {strides = array<i32>} : memref<10000xi32, #tpu.memory_space<vmem>>, vector<16xi32>,
      %gather3A_246 = tpu.vector_load_idx %arg6[%get3A_245] : memref<10000xi32, #tpu.memory_space<vmem>>[vector<16xi32>], vector<16xi32>,
      %swap3A_247 = arith.constant 1 : i32
      %swap3A_248 = arith.index_cast %swap3A_247 : i32 to index
      %swap3A_249 = arith.constant 48 : index
      %swap3A_250 = tpu.vector_load %arg8[%swap3A_248, %swap3A_249] {strides = array<i32>} : memref<6x128xi32, #tpu.memory_space<vmem>>, vector<16xi32>,
      tpu.vector_store %arg8[%swap3A_248, %swap3A_249], %gather3A_246 {strides = array<i32>} : memref<6x128xi32, #tpu.memory_space<vmem>>, vector<16xi32>,
      %add3A_251 = arith.constant 64 : i32
      %add3A_252 = arith.addi %mul3A_214, %add3A_251 : i32
      %get3A_253 = arith.index_cast %add3A_252 : i32 to index
      %get3A_254 = tpu.vector_load %arg7[%get3A_253] {strides = array<i32>} : memref<10000xi32, #tpu.memory_space<vmem>>, vector<16xi32>,
      %gather3A_255 = tpu.vector_load_idx %arg6[%get3A_254] : memref<10000xi32, #tpu.memory_space<vmem>>[vector<16xi32>], vector<16xi32>,
      %swap3A_256 = arith.constant 1 : i32
      %swap3A_257 = arith.index_cast %swap3A_256 : i32 to index
      %swap3A_258 = arith.constant 64 : index
      %swap3A_259 = tpu.vector_load %arg8[%swap3A_257, %swap3A_258] {strides = array<i32>} : memref<6x128xi32, #tpu.memory_space<vmem>>, vector<16xi32>,
      tpu.vector_store %arg8[%swap3A_257, %swap3A_258], %gather3A_255 {strides = array<i32>} : memref<6x128xi32, #tpu.memory_space<vmem>>, vector<16xi32>,
      %add3A_260 = arith.constant 80 : i32
      %add3A_261 = arith.addi %mul3A_214, %add3A_260 : i32
      %get3A_262 = arith.index_cast %add3A_261 : i32 to index
      %get3A_263 = tpu.vector_load %arg7[%get3A_262] {strides = array<i32>} : memref<10000xi32, #tpu.memory_space<vmem>>, vector<16xi32>,
      %gather3A_264 = tpu.vector_load_idx %arg6[%get3A_263] : memref<10000xi32, #tpu.memory_space<vmem>>[vector<16xi32>], vector<16xi32>,
      %swap3A_265 = arith.constant 1 : i32
      %swap3A_266 = arith.index_cast %swap3A_265 : i32 to index
      %swap3A_267 = arith.constant 80 : index
      %swap3A_268 = tpu.vector_load %arg8[%swap3A_266, %swap3A_267] {strides = array<i32>} : memref<6x128xi32, #tpu.memory_space<vmem>>, vector<16xi32>,
      tpu.vector_store %arg8[%swap3A_266, %swap3A_267], %gather3A_264 {strides = array<i32>} : memref<6x128xi32, #tpu.memory_space<vmem>>, vector<16xi32>,
      %add3A_269 = arith.constant 96 : i32
      %add3A_270 = arith.addi %mul3A_214, %add3A_269 : i32
      %get3A_271 = arith.index_cast %add3A_270 : i32 to index
      %get3A_272 = tpu.vector_load %arg7[%get3A_271] {strides = array<i32>} : memref<10000xi32, #tpu.memory_space<vmem>>, vector<16xi32>,
      %gather3A_273 = tpu.vector_load_idx %arg6[%get3A_272] : memref<10000xi32, #tpu.memory_space<vmem>>[vector<16xi32>], vector<16xi32>,
      %swap3A_274 = arith.constant 1 : i32
      %swap3A_275 = arith.index_cast %swap3A_274 : i32 to index
      %swap3A_276 = arith.constant 96 : index
      %swap3A_277 = tpu.vector_load %arg8[%swap3A_275, %swap3A_276] {strides = array<i32>} : memref<6x128xi32, #tpu.memory_space<vmem>>, vector<16xi32>,
      tpu.vector_store %arg8[%swap3A_275, %swap3A_276], %gather3A_273 {strides = array<i32>} : memref<6x128xi32, #tpu.memory_space<vmem>>, vector<16xi32>,
      %add3A_278 = arith.constant 112 : i32
      %add3A_279 = arith.addi %mul3A_214, %add3A_278 : i32
      %get3A_280 = arith.index_cast %add3A_279 : i32 to index
      %get3A_281 = tpu.vector_load %arg7[%get3A_280] {strides = array<i32>} : memref<10000xi32, #tpu.memory_space<vmem>>, vector<16xi32>,
      %gather3A_282 = tpu.vector_load_idx %arg6[%get3A_281] : memref<10000xi32, #tpu.memory_space<vmem>>[vector<16xi32>], vector<16xi32>,
      %swap3A_283 = arith.constant 1 : i32
      %swap3A_284 = arith.index_cast %swap3A_283 : i32 to index
      %swap3A_285 = arith.constant 112 : index
      %swap3A_286 = tpu.vector_load %arg8[%swap3A_284, %swap3A_285] {strides = array<i32>} : memref<6x128xi32, #tpu.memory_space<vmem>>, vector<16xi32>,
      tpu.vector_store %arg8[%swap3A_284, %swap3A_285], %gather3A_282 {strides = array<i32>} : memref<6x128xi32, #tpu.memory_space<vmem>>, vector<16xi32>,
      %dma_start3A_287 = arith.constant 1 : i32
      %dma_start3A_288 = arith.constant 1 : i32
      %dma_start3A_289 = arith.constant 0 : i32
      %dma_start3A_290 = arith.constant 0 : i32
      %dma_start3A_291 = tpu.memref_slice %arg9[%dma_start3A_288, %dma_start3A_289, %dma_start3A_290] : memref<6x128x64xf32, #tpu.memory_space<vmem>> -> memref<1x128x64xf32, #tpu.memory_space<vmem>>
      %dma_start3A_292 = tpu.memref_squeeze %dma_start3A_291 : memref<1x128x64xf32, #tpu.memory_space<vmem>> -> memref<128x64xf32, #tpu.memory_space<vmem>>
      %dma_start3A_293 = arith.constant 0 : i32
      %dma_start3A_294 = tpu.memref_slice %arg8[%dma_start3A_287, %dma_start3A_293] : memref<6x128xi32, #tpu.memory_space<vmem>> -> memref<1x128xi32, #tpu.memory_space<vmem>>
      %dma_start3A_295 = tpu.memref_squeeze %dma_start3A_294 : memref<1x128xi32, #tpu.memory_space<vmem>> -> memref<128xi32, #tpu.memory_space<vmem>>
      %dma_start3A_296 = arith.constant 0 : i32
      %dma_start3A_297 = arith.constant 0 : i32
      %dma_start3A_298 = tpu.memref_slice %arg5[%dma_start3A_296, %dma_start3A_297] : memref<10000x64xf32, #tpu.memory_space<vmem_shared>> -> memref<10000x64xf32, #tpu.memory_space<vmem_shared>>
      tpu.enqueue_indirect_dma source(%dma_start3A_298 : memref<10000x64xf32, #tpu.memory_space<vmem_shared>>) target(%dma_start3A_292 : memref<128x64xf32, #tpu.memory_space<vmem>>) offsets(%dma_start3A_295 : memref<128xi32, #tpu.memory_space<vmem>>) semaphore(%arg13 : memref<!tpu.dma_semaphore, #tpu.memory_space<semaphore_mem>>)
      %gt3A_299 = arith.constant 0 : i32
      %gt3A_300 = arith.cmpi sgt, %scan3A_109, %gt3A_299 : i32
      %convert_element_type3A_301 = arith.extui %gt3A_300 : i1 to i32
      %cond3A_302 = arith.constant 0 : i32
      %cond3A_303 = arith.cmpi ne, %convert_element_type3A_301, %cond3A_302 : i32
      scf.if %cond3A_303 {
        %dma_wait3A_871 = arith.constant 2 : i32
        %dma_wait3A_872 = arith.constant 0 : i32
        %dma_wait3A_873 = arith.constant 0 : i32
        %dma_wait3A_874 = tpu.memref_slice %arg9[%dma_wait3A_871, %dma_wait3A_872, %dma_wait3A_873] : memref<6x128x64xf32, #tpu.memory_space<vmem>> -> memref<1x128x64xf32, #tpu.memory_space<vmem>>
        %dma_wait3A_875 = tpu.memref_squeeze %dma_wait3A_874 : memref<1x128x64xf32, #tpu.memory_space<vmem>> -> memref<128x64xf32, #tpu.memory_space<vmem>>
        %dma_wait3A_876 = arith.constant 0 : i32
        %dma_wait3A_877 = arith.constant 0 : i32
        %dma_wait3A_878 = tpu.memref_slice %arg4[%dma_wait3A_876, %dma_wait3A_877] : memref<320000x64xf32, #tpu.memory_space<hbm>> -> memref<128x64xf32, #tpu.memory_space<hbm>>
        %dma_wait3A_879 = arith.constant 0 : i32
        %dma_wait3A_880 = arith.constant 0 : i32
        %dma_wait3A_881 = tpu.memref_slice %arg4[%dma_wait3A_879, %dma_wait3A_880] : memref<320000x64xf32, #tpu.memory_space<hbm>> -> memref<128x64xf32, #tpu.memory_space<hbm>>
        %dma_wait3A_882 = arith.constant 0 : i32
        %dma_wait3A_883 = arith.constant 0 : i32
        %dma_wait3A_884 = tpu.memref_slice %arg9[%dma_wait3A_871, %dma_wait3A_882, %dma_wait3A_883] : memref<6x128x64xf32, #tpu.memory_space<vmem>> -> memref<1x128x64xf32, #tpu.memory_space<vmem>>
        %dma_wait3A_885 = tpu.memref_squeeze %dma_wait3A_884 : memref<1x128x64xf32, #tpu.memory_space<vmem>> -> memref<128x64xf32, #tpu.memory_space<vmem>>
        tpu.wait_dma2 semaphore(%arg20 : memref<!tpu.dma_semaphore, #tpu.memory_space<semaphore_mem>>) src(%dma_wait3A_885 : memref<128x64xf32, #tpu.memory_space<vmem>>) dst(%dma_wait3A_881 : memref<128x64xf32, #tpu.memory_space<hbm>>)
      } else {
      }
      %mul3A_304 = arith.constant 6 : i32
      %mul3A_305 = arith.muli %scan3A_109, %mul3A_304 : i32
      %add3A_306 = arith.constant 2 : i32
      %add3A_307 = arith.addi %mul3A_305, %add3A_306 : i32
      %mul3A_308 = arith.constant 128 : i32
      %mul3A_309 = arith.muli %add3A_307, %mul3A_308 : i32
      %add3A_310 = arith.constant 0 : i32
      %add3A_311 = arith.addi %mul3A_309, %add3A_310 : i32
      %get3A_312 = arith.index_cast %add3A_311 : i32 to index
      %get3A_313 = tpu.vector_load %arg7[%get3A_312] {strides = array<i32>} : memref<10000xi32, #tpu.memory_space<vmem>>, vector<16xi32>,
      %gather3A_314 = tpu.vector_load_idx %arg6[%get3A_313] : memref<10000xi32, #tpu.memory_space<vmem>>[vector<16xi32>], vector<16xi32>,
      %swap3A_315 = arith.constant 2 : i32
      %swap3A_316 = arith.index_cast %swap3A_315 : i32 to index
      %swap3A_317 = arith.constant 0 : index
      %swap3A_318 = tpu.vector_load %arg8[%swap3A_316, %swap3A_317] {strides = array<i32>} : memref<6x128xi32, #tpu.memory_space<vmem>>, vector<16xi32>,
      tpu.vector_store %arg8[%swap3A_316, %swap3A_317], %gather3A_314 {strides = array<i32>} : memref<6x128xi32, #tpu.memory_space<vmem>>, vector<16xi32>,
      %add3A_319 = arith.constant 16 : i32
      %add3A_320 = arith.addi %mul3A_309, %add3A_319 : i32
      %get3A_321 = arith.index_cast %add3A_320 : i32 to index
      %get3A_322 = tpu.vector_load %arg7[%get3A_321] {strides = array<i32>} : memref<10000xi32, #tpu.memory_space<vmem>>, vector<16xi32>,
      %gather3A_323 = tpu.vector_load_idx %arg6[%get3A_322] : memref<10000xi32, #tpu.memory_space<vmem>>[vector<16xi32>], vector<16xi32>,
      %swap3A_324 = arith.constant 2 : i32
      %swap3A_325 = arith.index_cast %swap3A_324 : i32 to index
      %swap3A_326 = arith.constant 16 : index
      %swap3A_327 = tpu.vector_load %arg8[%swap3A_325, %swap3A_326] {strides = array<i32>} : memref<6x128xi32, #tpu.memory_space<vmem>>, vector<16xi32>,
      tpu.vector_store %arg8[%swap3A_325, %swap3A_326], %gather3A_323 {strides = array<i32>} : memref<6x128xi32, #tpu.memory_space<vmem>>, vector<16xi32>,
      %add3A_328 = arith.constant 32 : i32
      %add3A_329 = arith.addi %mul3A_309, %add3A_328 : i32
      %get3A_330 = arith.index_cast %add3A_329 : i32 to index
      %get3A_331 = tpu.vector_load %arg7[%get3A_330] {strides = array<i32>} : memref<10000xi32, #tpu.memory_space<vmem>>, vector<16xi32>,
      %gather3A_332 = tpu.vector_load_idx %arg6[%get3A_331] : memref<10000xi32, #tpu.memory_space<vmem>>[vector<16xi32>], vector<16xi32>,
      %swap3A_333 = arith.constant 2 : i32
      %swap3A_334 = arith.index_cast %swap3A_333 : i32 to index
      %swap3A_335 = arith.constant 32 : index
      %swap3A_336 = tpu.vector_load %arg8[%swap3A_334, %swap3A_335] {strides = array<i32>} : memref<6x128xi32, #tpu.memory_space<vmem>>, vector<16xi32>,
      tpu.vector_store %arg8[%swap3A_334, %swap3A_335], %gather3A_332 {strides = array<i32>} : memref<6x128xi32, #tpu.memory_space<vmem>>, vector<16xi32>,
      %add3A_337 = arith.constant 48 : i32
      %add3A_338 = arith.addi %mul3A_309, %add3A_337 : i32
      %get3A_339 = arith.index_cast %add3A_338 : i32 to index
      %get3A_340 = tpu.vector_load %arg7[%get3A_339] {strides = array<i32>} : memref<10000xi32, #tpu.memory_space<vmem>>, vector<16xi32>,
      %gather3A_341 = tpu.vector_load_idx %arg6[%get3A_340] : memref<10000xi32, #tpu.memory_space<vmem>>[vector<16xi32>], vector<16xi32>,
      %swap3A_342 = arith.constant 2 : i32
      %swap3A_343 = arith.index_cast %swap3A_342 : i32 to index
      %swap3A_344 = arith.constant 48 : index
      %swap3A_345 = tpu.vector_load %arg8[%swap3A_343, %swap3A_344] {strides = array<i32>} : memref<6x128xi32, #tpu.memory_space<vmem>>, vector<16xi32>,
      tpu.vector_store %arg8[%swap3A_343, %swap3A_344], %gather3A_341 {strides = array<i32>} : memref<6x128xi32, #tpu.memory_space<vmem>>, vector<16xi32>,
      %add3A_346 = arith.constant 64 : i32
      %add3A_347 = arith.addi %mul3A_309, %add3A_346 : i32
      %get3A_348 = arith.index_cast %add3A_347 : i32 to index
      %get3A_349 = tpu.vector_load %arg7[%get3A_348] {strides = array<i32>} : memref<10000xi32, #tpu.memory_space<vmem>>, vector<16xi32>,
      %gather3A_350 = tpu.vector_load_idx %arg6[%get3A_349] : memref<10000xi32, #tpu.memory_space<vmem>>[vector<16xi32>], vector<16xi32>,
      %swap3A_351 = arith.constant 2 : i32
      %swap3A_352 = arith.index_cast %swap3A_351 : i32 to index
      %swap3A_353 = arith.constant 64 : index
      %swap3A_354 = tpu.vector_load %arg8[%swap3A_352, %swap3A_353] {strides = array<i32>} : memref<6x128xi32, #tpu.memory_space<vmem>>, vector<16xi32>,
      tpu.vector_store %arg8[%swap3A_352, %swap3A_353], %gather3A_350 {strides = array<i32>} : memref<6x128xi32, #tpu.memory_space<vmem>>, vector<16xi32>,
      %add3A_355 = arith.constant 80 : i32
      %add3A_356 = arith.addi %mul3A_309, %add3A_355 : i32
      %get3A_357 = arith.index_cast %add3A_356 : i32 to index
      %get3A_358 = tpu.vector_load %arg7[%get3A_357] {strides = array<i32>} : memref<10000xi32, #tpu.memory_space<vmem>>, vector<16xi32>,
      %gather3A_359 = tpu.vector_load_idx %arg6[%get3A_358] : memref<10000xi32, #tpu.memory_space<vmem>>[vector<16xi32>], vector<16xi32>,
      %swap3A_360 = arith.constant 2 : i32
      %swap3A_361 = arith.index_cast %swap3A_360 : i32 to index
      %swap3A_362 = arith.constant 80 : index
      %swap3A_363 = tpu.vector_load %arg8[%swap3A_361, %swap3A_362] {strides = array<i32>} : memref<6x128xi32, #tpu.memory_space<vmem>>, vector<16xi32>,
      tpu.vector_store %arg8[%swap3A_361, %swap3A_362], %gather3A_359 {strides = array<i32>} : memref<6x128xi32, #tpu.memory_space<vmem>>, vector<16xi32>,
      %add3A_364 = arith.constant 96 : i32
      %add3A_365 = arith.addi %mul3A_309, %add3A_364 : i32
      %get3A_366 = arith.index_cast %add3A_365 : i32 to index
      %get3A_367 = tpu.vector_load %arg7[%get3A_366] {strides = array<i32>} : memref<10000xi32, #tpu.memory_space<vmem>>, vector<16xi32>,
      %gather3A_368 = tpu.vector_load_idx %arg6[%get3A_367] : memref<10000xi32, #tpu.memory_space<vmem>>[vector<16xi32>], vector<16xi32>,
      %swap3A_369 = arith.constant 2 : i32
      %swap3A_370 = arith.index_cast %swap3A_369 : i32 to index
      %swap3A_371 = arith.constant 96 : index
      %swap3A_372 = tpu.vector_load %arg8[%swap3A_370, %swap3A_371] {strides = array<i32>} : memref<6x128xi32, #tpu.memory_space<vmem>>, vector<16xi32>,
      tpu.vector_store %arg8[%swap3A_370, %swap3A_371], %gather3A_368 {strides = array<i32>} : memref<6x128xi32, #tpu.memory_space<vmem>>, vector<16xi32>,
      %add3A_373 = arith.constant 112 : i32
      %add3A_374 = arith.addi %mul3A_309, %add3A_373 : i32
      %get3A_375 = arith.index_cast %add3A_374 : i32 to index
      %get3A_376 = tpu.vector_load %arg7[%get3A_375] {strides = array<i32>} : memref<10000xi32, #tpu.memory_space<vmem>>, vector<16xi32>,
      %gather3A_377 = tpu.vector_load_idx %arg6[%get3A_376] : memref<10000xi32, #tpu.memory_space<vmem>>[vector<16xi32>], vector<16xi32>,
      %swap3A_378 = arith.constant 2 : i32
      %swap3A_379 = arith.index_cast %swap3A_378 : i32 to index
      %swap3A_380 = arith.constant 112 : index
      %swap3A_381 = tpu.vector_load %arg8[%swap3A_379, %swap3A_380] {strides = array<i32>} : memref<6x128xi32, #tpu.memory_space<vmem>>, vector<16xi32>,
      tpu.vector_store %arg8[%swap3A_379, %swap3A_380], %gather3A_377 {strides = array<i32>} : memref<6x128xi32, #tpu.memory_space<vmem>>, vector<16xi32>,
      %dma_start3A_382 = arith.constant 2 : i32
      %dma_start3A_383 = arith.constant 2 : i32
      %dma_start3A_384 = arith.constant 0 : i32
      %dma_start3A_385 = arith.constant 0 : i32
      %dma_start3A_386 = tpu.memref_slice %arg9[%dma_start3A_383, %dma_start3A_384, %dma_start3A_385] : memref<6x128x64xf32, #tpu.memory_space<vmem>> -> memref<1x128x64xf32, #tpu.memory_space<vmem>>
      %dma_start3A_387 = tpu.memref_squeeze %dma_start3A_386 : memref<1x128x64xf32, #tpu.memory_space<vmem>> -> memref<128x64xf32, #tpu.memory_space<vmem>>
      %dma_start3A_388 = arith.constant 0 : i32
      %dma_start3A_389 = tpu.memref_slice %arg8[%dma_start3A_382, %dma_start3A_388] : memref<6x128xi32, #tpu.memory_space<vmem>> -> memref<1x128xi32, #tpu.memory_space<vmem>>
      %dma_start3A_390 = tpu.memref_squeeze %dma_start3A_389 : memref<1x128xi32, #tpu.memory_space<vmem>> -> memref<128xi32, #tpu.memory_space<vmem>>
      %dma_start3A_391 = arith.constant 0 : i32
      %dma_start3A_392 = arith.constant 0 : i32
      %dma_start3A_393 = tpu.memref_slice %arg5[%dma_start3A_391, %dma_start3A_392] : memref<10000x64xf32, #tpu.memory_space<vmem_shared>> -> memref<10000x64xf32, #tpu.memory_space<vmem_shared>>
      tpu.enqueue_indirect_dma source(%dma_start3A_393 : memref<10000x64xf32, #tpu.memory_space<vmem_shared>>) target(%dma_start3A_387 : memref<128x64xf32, #tpu.memory_space<vmem>>) offsets(%dma_start3A_390 : memref<128xi32, #tpu.memory_space<vmem>>) semaphore(%arg14 : memref<!tpu.dma_semaphore, #tpu.memory_space<semaphore_mem>>)
      %gt3A_394 = arith.constant 0 : i32
      %gt3A_395 = arith.cmpi sgt, %scan3A_109, %gt3A_394 : i32
      %convert_element_type3A_396 = arith.extui %gt3A_395 : i1 to i32
      %cond3A_397 = arith.constant 0 : i32
      %cond3A_398 = arith.cmpi ne, %convert_element_type3A_396, %cond3A_397 : i32
      scf.if %cond3A_398 {
        %dma_wait3A_871 = arith.constant 3 : i32
        %dma_wait3A_872 = arith.constant 0 : i32
        %dma_wait3A_873 = arith.constant 0 : i32
        %dma_wait3A_874 = tpu.memref_slice %arg9[%dma_wait3A_871, %dma_wait3A_872, %dma_wait3A_873] : memref<6x128x64xf32, #tpu.memory_space<vmem>> -> memref<1x128x64xf32, #tpu.memory_space<vmem>>
        %dma_wait3A_875 = tpu.memref_squeeze %dma_wait3A_874 : memref<1x128x64xf32, #tpu.memory_space<vmem>> -> memref<128x64xf32, #tpu.memory_space<vmem>>
        %dma_wait3A_876 = arith.constant 0 : i32
        %dma_wait3A_877 = arith.constant 0 : i32
        %dma_wait3A_878 = tpu.memref_slice %arg4[%dma_wait3A_876, %dma_wait3A_877] : memref<320000x64xf32, #tpu.memory_space<hbm>> -> memref<128x64xf32, #tpu.memory_space<hbm>>
        %dma_wait3A_879 = arith.constant 0 : i32
        %dma_wait3A_880 = arith.constant 0 : i32
        %dma_wait3A_881 = tpu.memref_slice %arg4[%dma_wait3A_879, %dma_wait3A_880] : memref<320000x64xf32, #tpu.memory_space<hbm>> -> memref<128x64xf32, #tpu.memory_space<hbm>>
        %dma_wait3A_882 = arith.constant 0 : i32
        %dma_wait3A_883 = arith.constant 0 : i32
        %dma_wait3A_884 = tpu.memref_slice %arg9[%dma_wait3A_871, %dma_wait3A_882, %dma_wait3A_883] : memref<6x128x64xf32, #tpu.memory_space<vmem>> -> memref<1x128x64xf32, #tpu.memory_space<vmem>>
        %dma_wait3A_885 = tpu.memref_squeeze %dma_wait3A_884 : memref<1x128x64xf32, #tpu.memory_space<vmem>> -> memref<128x64xf32, #tpu.memory_space<vmem>>
        tpu.wait_dma2 semaphore(%arg21 : memref<!tpu.dma_semaphore, #tpu.memory_space<semaphore_mem>>) src(%dma_wait3A_885 : memref<128x64xf32, #tpu.memory_space<vmem>>) dst(%dma_wait3A_881 : memref<128x64xf32, #tpu.memory_space<hbm>>)
      } else {
      }
      %mul3A_399 = arith.constant 6 : i32
      %mul3A_400 = arith.muli %scan3A_109, %mul3A_399 : i32
      %add3A_401 = arith.constant 3 : i32
      %add3A_402 = arith.addi %mul3A_400, %add3A_401 : i32
      %mul3A_403 = arith.constant 128 : i32
      %mul3A_404 = arith.muli %add3A_402, %mul3A_403 : i32
      %add3A_405 = arith.constant 0 : i32
      %add3A_406 = arith.addi %mul3A_404, %add3A_405 : i32
      %get3A_407 = arith.index_cast %add3A_406 : i32 to index
      %get3A_408 = tpu.vector_load %arg7[%get3A_407] {strides = array<i32>} : memref<10000xi32, #tpu.memory_space<vmem>>, vector<16xi32>,
      %gather3A_409 = tpu.vector_load_idx %arg6[%get3A_408] : memref<10000xi32, #tpu.memory_space<vmem>>[vector<16xi32>], vector<16xi32>,
      %swap3A_410 = arith.constant 3 : i32
      %swap3A_411 = arith.index_cast %swap3A_410 : i32 to index
      %swap3A_412 = arith.constant 0 : index
      %swap3A_413 = tpu.vector_load %arg8[%swap3A_411, %swap3A_412] {strides = array<i32>} : memref<6x128xi32, #tpu.memory_space<vmem>>, vector<16xi32>,
      tpu.vector_store %arg8[%swap3A_411, %swap3A_412], %gather3A_409 {strides = array<i32>} : memref<6x128xi32, #tpu.memory_space<vmem>>, vector<16xi32>,
      %add3A_414 = arith.constant 16 : i32
      %add3A_415 = arith.addi %mul3A_404, %add3A_414 : i32
      %get3A_416 = arith.index_cast %add3A_415 : i32 to index
      %get3A_417 = tpu.vector_load %arg7[%get3A_416] {strides = array<i32>} : memref<10000xi32, #tpu.memory_space<vmem>>, vector<16xi32>,
      %gather3A_418 = tpu.vector_load_idx %arg6[%get3A_417] : memref<10000xi32, #tpu.memory_space<vmem>>[vector<16xi32>], vector<16xi32>,
      %swap3A_419 = arith.constant 3 : i32
      %swap3A_420 = arith.index_cast %swap3A_419 : i32 to index
      %swap3A_421 = arith.constant 16 : index
      %swap3A_422 = tpu.vector_load %arg8[%swap3A_420, %swap3A_421] {strides = array<i32>} : memref<6x128xi32, #tpu.memory_space<vmem>>, vector<16xi32>,
      tpu.vector_store %arg8[%swap3A_420, %swap3A_421], %gather3A_418 {strides = array<i32>} : memref<6x128xi32, #tpu.memory_space<vmem>>, vector<16xi32>,
      %add3A_423 = arith.constant 32 : i32
      %add3A_424 = arith.addi %mul3A_404, %add3A_423 : i32
      %get3A_425 = arith.index_cast %add3A_424 : i32 to index
      %get3A_426 = tpu.vector_load %arg7[%get3A_425] {strides = array<i32>} : memref<10000xi32, #tpu.memory_space<vmem>>, vector<16xi32>,
      %gather3A_427 = tpu.vector_load_idx %arg6[%get3A_426] : memref<10000xi32, #tpu.memory_space<vmem>>[vector<16xi32>], vector<16xi32>,
      %swap3A_428 = arith.constant 3 : i32
      %swap3A_429 = arith.index_cast %swap3A_428 : i32 to index
      %swap3A_430 = arith.constant 32 : index
      %swap3A_431 = tpu.vector_load %arg8[%swap3A_429, %swap3A_430] {strides = array<i32>} : memref<6x128xi32, #tpu.memory_space<vmem>>, vector<16xi32>,
      tpu.vector_store %arg8[%swap3A_429, %swap3A_430], %gather3A_427 {strides = array<i32>} : memref<6x128xi32, #tpu.memory_space<vmem>>, vector<16xi32>,
      %add3A_432 = arith.constant 48 : i32
      %add3A_433 = arith.addi %mul3A_404, %add3A_432 : i32
      %get3A_434 = arith.index_cast %add3A_433 : i32 to index
      %get3A_435 = tpu.vector_load %arg7[%get3A_434] {strides = array<i32>} : memref<10000xi32, #tpu.memory_space<vmem>>, vector<16xi32>,
      %gather3A_436 = tpu.vector_load_idx %arg6[%get3A_435] : memref<10000xi32, #tpu.memory_space<vmem>>[vector<16xi32>], vector<16xi32>,
      %swap3A_437 = arith.constant 3 : i32
      %swap3A_438 = arith.index_cast %swap3A_437 : i32 to index
      %swap3A_439 = arith.constant 48 : index
      %swap3A_440 = tpu.vector_load %arg8[%swap3A_438, %swap3A_439] {strides = array<i32>} : memref<6x128xi32, #tpu.memory_space<vmem>>, vector<16xi32>,
      tpu.vector_store %arg8[%swap3A_438, %swap3A_439], %gather3A_436 {strides = array<i32>} : memref<6x128xi32, #tpu.memory_space<vmem>>, vector<16xi32>,
      %add3A_441 = arith.constant 64 : i32
      %add3A_442 = arith.addi %mul3A_404, %add3A_441 : i32
      %get3A_443 = arith.index_cast %add3A_442 : i32 to index
      %get3A_444 = tpu.vector_load %arg7[%get3A_443] {strides = array<i32>} : memref<10000xi32, #tpu.memory_space<vmem>>, vector<16xi32>,
      %gather3A_445 = tpu.vector_load_idx %arg6[%get3A_444] : memref<10000xi32, #tpu.memory_space<vmem>>[vector<16xi32>], vector<16xi32>,
      %swap3A_446 = arith.constant 3 : i32
      %swap3A_447 = arith.index_cast %swap3A_446 : i32 to index
      %swap3A_448 = arith.constant 64 : index
      %swap3A_449 = tpu.vector_load %arg8[%swap3A_447, %swap3A_448] {strides = array<i32>} : memref<6x128xi32, #tpu.memory_space<vmem>>, vector<16xi32>,
      tpu.vector_store %arg8[%swap3A_447, %swap3A_448], %gather3A_445 {strides = array<i32>} : memref<6x128xi32, #tpu.memory_space<vmem>>, vector<16xi32>,
      %add3A_450 = arith.constant 80 : i32
      %add3A_451 = arith.addi %mul3A_404, %add3A_450 : i32
      %get3A_452 = arith.index_cast %add3A_451 : i32 to index
      %get3A_453 = tpu.vector_load %arg7[%get3A_452] {strides = array<i32>} : memref<10000xi32, #tpu.memory_space<vmem>>, vector<16xi32>,
      %gather3A_454 = tpu.vector_load_idx %arg6[%get3A_453] : memref<10000xi32, #tpu.memory_space<vmem>>[vector<16xi32>], vector<16xi32>,
      %swap3A_455 = arith.constant 3 : i32
      %swap3A_456 = arith.index_cast %swap3A_455 : i32 to index
      %swap3A_457 = arith.constant 80 : index
      %swap3A_458 = tpu.vector_load %arg8[%swap3A_456, %swap3A_457] {strides = array<i32>} : memref<6x128xi32, #tpu.memory_space<vmem>>, vector<16xi32>,
      tpu.vector_store %arg8[%swap3A_456, %swap3A_457], %gather3A_454 {strides = array<i32>} : memref<6x128xi32, #tpu.memory_space<vmem>>, vector<16xi32>,
      %add3A_459 = arith.constant 96 : i32
      %add3A_460 = arith.addi %mul3A_404, %add3A_459 : i32
      %get3A_461 = arith.index_cast %add3A_460 : i32 to index
      %get3A_462 = tpu.vector_load %arg7[%get3A_461] {strides = array<i32>} : memref<10000xi32, #tpu.memory_space<vmem>>, vector<16xi32>,
      %gather3A_463 = tpu.vector_load_idx %arg6[%get3A_462] : memref<10000xi32, #tpu.memory_space<vmem>>[vector<16xi32>], vector<16xi32>,
      %swap3A_464 = arith.constant 3 : i32
      %swap3A_465 = arith.index_cast %swap3A_464 : i32 to index
      %swap3A_466 = arith.constant 96 : index
      %swap3A_467 = tpu.vector_load %arg8[%swap3A_465, %swap3A_466] {strides = array<i32>} : memref<6x128xi32, #tpu.memory_space<vmem>>, vector<16xi32>,
      tpu.vector_store %arg8[%swap3A_465, %swap3A_466], %gather3A_463 {strides = array<i32>} : memref<6x128xi32, #tpu.memory_space<vmem>>, vector<16xi32>,
      %add3A_468 = arith.constant 112 : i32
      %add3A_469 = arith.addi %mul3A_404, %add3A_468 : i32
      %get3A_470 = arith.index_cast %add3A_469 : i32 to index
      %get3A_471 = tpu.vector_load %arg7[%get3A_470] {strides = array<i32>} : memref<10000xi32, #tpu.memory_space<vmem>>, vector<16xi32>,
      %gather3A_472 = tpu.vector_load_idx %arg6[%get3A_471] : memref<10000xi32, #tpu.memory_space<vmem>>[vector<16xi32>], vector<16xi32>,
      %swap3A_473 = arith.constant 3 : i32
      %swap3A_474 = arith.index_cast %swap3A_473 : i32 to index
      %swap3A_475 = arith.constant 112 : index
      %swap3A_476 = tpu.vector_load %arg8[%swap3A_474, %swap3A_475] {strides = array<i32>} : memref<6x128xi32, #tpu.memory_space<vmem>>, vector<16xi32>,
      tpu.vector_store %arg8[%swap3A_474, %swap3A_475], %gather3A_472 {strides = array<i32>} : memref<6x128xi32, #tpu.memory_space<vmem>>, vector<16xi32>,
      %dma_start3A_477 = arith.constant 3 : i32
      %dma_start3A_478 = arith.constant 3 : i32
      %dma_start3A_479 = arith.constant 0 : i32
      %dma_start3A_480 = arith.constant 0 : i32
      %dma_start3A_481 = tpu.memref_slice %arg9[%dma_start3A_478, %dma_start3A_479, %dma_start3A_480] : memref<6x128x64xf32, #tpu.memory_space<vmem>> -> memref<1x128x64xf32, #tpu.memory_space<vmem>>
      %dma_start3A_482 = tpu.memref_squeeze %dma_start3A_481 : memref<1x128x64xf32, #tpu.memory_space<vmem>> -> memref<128x64xf32, #tpu.memory_space<vmem>>
      %dma_start3A_483 = arith.constant 0 : i32
      %dma_start3A_484 = tpu.memref_slice %arg8[%dma_start3A_477, %dma_start3A_483] : memref<6x128xi32, #tpu.memory_space<vmem>> -> memref<1x128xi32, #tpu.memory_space<vmem>>
      %dma_start3A_485 = tpu.memref_squeeze %dma_start3A_484 : memref<1x128xi32, #tpu.memory_space<vmem>> -> memref<128xi32, #tpu.memory_space<vmem>>
      %dma_start3A_486 = arith.constant 0 : i32
      %dma_start3A_487 = arith.constant 0 : i32
      %dma_start3A_488 = tpu.memref_slice %arg5[%dma_start3A_486, %dma_start3A_487] : memref<10000x64xf32, #tpu.memory_space<vmem_shared>> -> memref<10000x64xf32, #tpu.memory_space<vmem_shared>>
      tpu.enqueue_indirect_dma source(%dma_start3A_488 : memref<10000x64xf32, #tpu.memory_space<vmem_shared>>) target(%dma_start3A_482 : memref<128x64xf32, #tpu.memory_space<vmem>>) offsets(%dma_start3A_485 : memref<128xi32, #tpu.memory_space<vmem>>) semaphore(%arg15 : memref<!tpu.dma_semaphore, #tpu.memory_space<semaphore_mem>>)
      %gt3A_489 = arith.constant 0 : i32
      %gt3A_490 = arith.cmpi sgt, %scan3A_109, %gt3A_489 : i32
      %convert_element_type3A_491 = arith.extui %gt3A_490 : i1 to i32
      %cond3A_492 = arith.constant 0 : i32
      %cond3A_493 = arith.cmpi ne, %convert_element_type3A_491, %cond3A_492 : i32
      scf.if %cond3A_493 {
        %dma_wait3A_871 = arith.constant 4 : i32
        %dma_wait3A_872 = arith.constant 0 : i32
        %dma_wait3A_873 = arith.constant 0 : i32
        %dma_wait3A_874 = tpu.memref_slice %arg9[%dma_wait3A_871, %dma_wait3A_872, %dma_wait3A_873] : memref<6x128x64xf32, #tpu.memory_space<vmem>> -> memref<1x128x64xf32, #tpu.memory_space<vmem>>
        %dma_wait3A_875 = tpu.memref_squeeze %dma_wait3A_874 : memref<1x128x64xf32, #tpu.memory_space<vmem>> -> memref<128x64xf32, #tpu.memory_space<vmem>>
        %dma_wait3A_876 = arith.constant 0 : i32
        %dma_wait3A_877 = arith.constant 0 : i32
        %dma_wait3A_878 = tpu.memref_slice %arg4[%dma_wait3A_876, %dma_wait3A_877] : memref<320000x64xf32, #tpu.memory_space<hbm>> -> memref<128x64xf32, #tpu.memory_space<hbm>>
        %dma_wait3A_879 = arith.constant 0 : i32
        %dma_wait3A_880 = arith.constant 0 : i32
        %dma_wait3A_881 = tpu.memref_slice %arg4[%dma_wait3A_879, %dma_wait3A_880] : memref<320000x64xf32, #tpu.memory_space<hbm>> -> memref<128x64xf32, #tpu.memory_space<hbm>>
        %dma_wait3A_882 = arith.constant 0 : i32
        %dma_wait3A_883 = arith.constant 0 : i32
        %dma_wait3A_884 = tpu.memref_slice %arg9[%dma_wait3A_871, %dma_wait3A_882, %dma_wait3A_883] : memref<6x128x64xf32, #tpu.memory_space<vmem>> -> memref<1x128x64xf32, #tpu.memory_space<vmem>>
        %dma_wait3A_885 = tpu.memref_squeeze %dma_wait3A_884 : memref<1x128x64xf32, #tpu.memory_space<vmem>> -> memref<128x64xf32, #tpu.memory_space<vmem>>
        tpu.wait_dma2 semaphore(%arg22 : memref<!tpu.dma_semaphore, #tpu.memory_space<semaphore_mem>>) src(%dma_wait3A_885 : memref<128x64xf32, #tpu.memory_space<vmem>>) dst(%dma_wait3A_881 : memref<128x64xf32, #tpu.memory_space<hbm>>)
      } else {
      }
      %mul3A_494 = arith.constant 6 : i32
      %mul3A_495 = arith.muli %scan3A_109, %mul3A_494 : i32
      %add3A_496 = arith.constant 4 : i32
      %add3A_497 = arith.addi %mul3A_495, %add3A_496 : i32
      %mul3A_498 = arith.constant 128 : i32
      %mul3A_499 = arith.muli %add3A_497, %mul3A_498 : i32
      %add3A_500 = arith.constant 0 : i32
      %add3A_501 = arith.addi %mul3A_499, %add3A_500 : i32
      %get3A_502 = arith.index_cast %add3A_501 : i32 to index
      %get3A_503 = tpu.vector_load %arg7[%get3A_502] {strides = array<i32>} : memref<10000xi32, #tpu.memory_space<vmem>>, vector<16xi32>,
      %gather3A_504 = tpu.vector_load_idx %arg6[%get3A_503] : memref<10000xi32, #tpu.memory_space<vmem>>[vector<16xi32>], vector<16xi32>,
      %swap3A_505 = arith.constant 4 : i32
      %swap3A_506 = arith.index_cast %swap3A_505 : i32 to index
      %swap3A_507 = arith.constant 0 : index
      %swap3A_508 = tpu.vector_load %arg8[%swap3A_506, %swap3A_507] {strides = array<i32>} : memref<6x128xi32, #tpu.memory_space<vmem>>, vector<16xi32>,
      tpu.vector_store %arg8[%swap3A_506, %swap3A_507], %gather3A_504 {strides = array<i32>} : memref<6x128xi32, #tpu.memory_space<vmem>>, vector<16xi32>,
      %add3A_509 = arith.constant 16 : i32
      %add3A_510 = arith.addi %mul3A_499, %add3A_509 : i32
      %get3A_511 = arith.index_cast %add3A_510 : i32 to index
      %get3A_512 = tpu.vector_load %arg7[%get3A_511] {strides = array<i32>} : memref<10000xi32, #tpu.memory_space<vmem>>, vector<16xi32>,
      %gather3A_513 = tpu.vector_load_idx %arg6[%get3A_512] : memref<10000xi32, #tpu.memory_space<vmem>>[vector<16xi32>], vector<16xi32>,
      %swap3A_514 = arith.constant 4 : i32
      %swap3A_515 = arith.index_cast %swap3A_514 : i32 to index
      %swap3A_516 = arith.constant 16 : index
      %swap3A_517 = tpu.vector_load %arg8[%swap3A_515, %swap3A_516] {strides = array<i32>} : memref<6x128xi32, #tpu.memory_space<vmem>>, vector<16xi32>,
      tpu.vector_store %arg8[%swap3A_515, %swap3A_516], %gather3A_513 {strides = array<i32>} : memref<6x128xi32, #tpu.memory_space<vmem>>, vector<16xi32>,
      %add3A_518 = arith.constant 32 : i32
      %add3A_519 = arith.addi %mul3A_499, %add3A_518 : i32
      %get3A_520 = arith.index_cast %add3A_519 : i32 to index
      %get3A_521 = tpu.vector_load %arg7[%get3A_520] {strides = array<i32>} : memref<10000xi32, #tpu.memory_space<vmem>>, vector<16xi32>,
      %gather3A_522 = tpu.vector_load_idx %arg6[%get3A_521] : memref<10000xi32, #tpu.memory_space<vmem>>[vector<16xi32>], vector<16xi32>,
      %swap3A_523 = arith.constant 4 : i32
      %swap3A_524 = arith.index_cast %swap3A_523 : i32 to index
      %swap3A_525 = arith.constant 32 : index
      %swap3A_526 = tpu.vector_load %arg8[%swap3A_524, %swap3A_525] {strides = array<i32>} : memref<6x128xi32, #tpu.memory_space<vmem>>, vector<16xi32>,
      tpu.vector_store %arg8[%swap3A_524, %swap3A_525], %gather3A_522 {strides = array<i32>} : memref<6x128xi32, #tpu.memory_space<vmem>>, vector<16xi32>,
      %add3A_527 = arith.constant 48 : i32
      %add3A_528 = arith.addi %mul3A_499, %add3A_527 : i32
      %get3A_529 = arith.index_cast %add3A_528 : i32 to index
      %get3A_530 = tpu.vector_load %arg7[%get3A_529] {strides = array<i32>} : memref<10000xi32, #tpu.memory_space<vmem>>, vector<16xi32>,
      %gather3A_531 = tpu.vector_load_idx %arg6[%get3A_530] : memref<10000xi32, #tpu.memory_space<vmem>>[vector<16xi32>], vector<16xi32>,
      %swap3A_532 = arith.constant 4 : i32
      %swap3A_533 = arith.index_cast %swap3A_532 : i32 to index
      %swap3A_534 = arith.constant 48 : index
      %swap3A_535 = tpu.vector_load %arg8[%swap3A_533, %swap3A_534] {strides = array<i32>} : memref<6x128xi32, #tpu.memory_space<vmem>>, vector<16xi32>,
      tpu.vector_store %arg8[%swap3A_533, %swap3A_534], %gather3A_531 {strides = array<i32>} : memref<6x128xi32, #tpu.memory_space<vmem>>, vector<16xi32>,
      %add3A_536 = arith.constant 64 : i32
      %add3A_537 = arith.addi %mul3A_499, %add3A_536 : i32
      %get3A_538 = arith.index_cast %add3A_537 : i32 to index
      %get3A_539 = tpu.vector_load %arg7[%get3A_538] {strides = array<i32>} : memref<10000xi32, #tpu.memory_space<vmem>>, vector<16xi32>,
      %gather3A_540 = tpu.vector_load_idx %arg6[%get3A_539] : memref<10000xi32, #tpu.memory_space<vmem>>[vector<16xi32>], vector<16xi32>,
      %swap3A_541 = arith.constant 4 : i32
      %swap3A_542 = arith.index_cast %swap3A_541 : i32 to index
      %swap3A_543 = arith.constant 64 : index
      %swap3A_544 = tpu.vector_load %arg8[%swap3A_542, %swap3A_543] {strides = array<i32>} : memref<6x128xi32, #tpu.memory_space<vmem>>, vector<16xi32>,
      tpu.vector_store %arg8[%swap3A_542, %swap3A_543], %gather3A_540 {strides = array<i32>} : memref<6x128xi32, #tpu.memory_space<vmem>>, vector<16xi32>,
      %add3A_545 = arith.constant 80 : i32
      %add3A_546 = arith.addi %mul3A_499, %add3A_545 : i32
      %get3A_547 = arith.index_cast %add3A_546 : i32 to index
      %get3A_548 = tpu.vector_load %arg7[%get3A_547] {strides = array<i32>} : memref<10000xi32, #tpu.memory_space<vmem>>, vector<16xi32>,
      %gather3A_549 = tpu.vector_load_idx %arg6[%get3A_548] : memref<10000xi32, #tpu.memory_space<vmem>>[vector<16xi32>], vector<16xi32>,
      %swap3A_550 = arith.constant 4 : i32
      %swap3A_551 = arith.index_cast %swap3A_550 : i32 to index
      %swap3A_552 = arith.constant 80 : index
      %swap3A_553 = tpu.vector_load %arg8[%swap3A_551, %swap3A_552] {strides = array<i32>} : memref<6x128xi32, #tpu.memory_space<vmem>>, vector<16xi32>,
      tpu.vector_store %arg8[%swap3A_551, %swap3A_552], %gather3A_549 {strides = array<i32>} : memref<6x128xi32, #tpu.memory_space<vmem>>, vector<16xi32>,
      %add3A_554 = arith.constant 96 : i32
      %add3A_555 = arith.addi %mul3A_499, %add3A_554 : i32
      %get3A_556 = arith.index_cast %add3A_555 : i32 to index
      %get3A_557 = tpu.vector_load %arg7[%get3A_556] {strides = array<i32>} : memref<10000xi32, #tpu.memory_space<vmem>>, vector<16xi32>,
      %gather3A_558 = tpu.vector_load_idx %arg6[%get3A_557] : memref<10000xi32, #tpu.memory_space<vmem>>[vector<16xi32>], vector<16xi32>,
      %swap3A_559 = arith.constant 4 : i32
      %swap3A_560 = arith.index_cast %swap3A_559 : i32 to index
      %swap3A_561 = arith.constant 96 : index
      %swap3A_562 = tpu.vector_load %arg8[%swap3A_560, %swap3A_561] {strides = array<i32>} : memref<6x128xi32, #tpu.memory_space<vmem>>, vector<16xi32>,
      tpu.vector_store %arg8[%swap3A_560, %swap3A_561], %gather3A_558 {strides = array<i32>} : memref<6x128xi32, #tpu.memory_space<vmem>>, vector<16xi32>,
      %add3A_563 = arith.constant 112 : i32
      %add3A_564 = arith.addi %mul3A_499, %add3A_563 : i32
      %get3A_565 = arith.index_cast %add3A_564 : i32 to index
      %get3A_566 = tpu.vector_load %arg7[%get3A_565] {strides = array<i32>} : memref<10000xi32, #tpu.memory_space<vmem>>, vector<16xi32>,
      %gather3A_567 = tpu.vector_load_idx %arg6[%get3A_566] : memref<10000xi32, #tpu.memory_space<vmem>>[vector<16xi32>], vector<16xi32>,
      %swap3A_568 = arith.constant 4 : i32
      %swap3A_569 = arith.index_cast %swap3A_568 : i32 to index
      %swap3A_570 = arith.constant 112 : index
      %swap3A_571 = tpu.vector_load %arg8[%swap3A_569, %swap3A_570] {strides = array<i32>} : memref<6x128xi32, #tpu.memory_space<vmem>>, vector<16xi32>,
      tpu.vector_store %arg8[%swap3A_569, %swap3A_570], %gather3A_567 {strides = array<i32>} : memref<6x128xi32, #tpu.memory_space<vmem>>, vector<16xi32>,
      %dma_start3A_572 = arith.constant 4 : i32
      %dma_start3A_573 = arith.constant 4 : i32
      %dma_start3A_574 = arith.constant 0 : i32
      %dma_start3A_575 = arith.constant 0 : i32
      %dma_start3A_576 = tpu.memref_slice %arg9[%dma_start3A_573, %dma_start3A_574, %dma_start3A_575] : memref<6x128x64xf32, #tpu.memory_space<vmem>> -> memref<1x128x64xf32, #tpu.memory_space<vmem>>
      %dma_start3A_577 = tpu.memref_squeeze %dma_start3A_576 : memref<1x128x64xf32, #tpu.memory_space<vmem>> -> memref<128x64xf32, #tpu.memory_space<vmem>>
      %dma_start3A_578 = arith.constant 0 : i32
      %dma_start3A_579 = tpu.memref_slice %arg8[%dma_start3A_572, %dma_start3A_578] : memref<6x128xi32, #tpu.memory_space<vmem>> -> memref<1x128xi32, #tpu.memory_space<vmem>>
      %dma_start3A_580 = tpu.memref_squeeze %dma_start3A_579 : memref<1x128xi32, #tpu.memory_space<vmem>> -> memref<128xi32, #tpu.memory_space<vmem>>
      %dma_start3A_581 = arith.constant 0 : i32
      %dma_start3A_582 = arith.constant 0 : i32
      %dma_start3A_583 = tpu.memref_slice %arg5[%dma_start3A_581, %dma_start3A_582] : memref<10000x64xf32, #tpu.memory_space<vmem_shared>> -> memref<10000x64xf32, #tpu.memory_space<vmem_shared>>
      tpu.enqueue_indirect_dma source(%dma_start3A_583 : memref<10000x64xf32, #tpu.memory_space<vmem_shared>>) target(%dma_start3A_577 : memref<128x64xf32, #tpu.memory_space<vmem>>) offsets(%dma_start3A_580 : memref<128xi32, #tpu.memory_space<vmem>>) semaphore(%arg16 : memref<!tpu.dma_semaphore, #tpu.memory_space<semaphore_mem>>)
      %gt3A_584 = arith.constant 0 : i32
      %gt3A_585 = arith.cmpi sgt, %scan3A_109, %gt3A_584 : i32
      %convert_element_type3A_586 = arith.extui %gt3A_585 : i1 to i32
      %cond3A_587 = arith.constant 0 : i32
      %cond3A_588 = arith.cmpi ne, %convert_element_type3A_586, %cond3A_587 : i32
      scf.if %cond3A_588 {
        %dma_wait3A_871 = arith.constant 5 : i32
        %dma_wait3A_872 = arith.constant 0 : i32
        %dma_wait3A_873 = arith.constant 0 : i32
        %dma_wait3A_874 = tpu.memref_slice %arg9[%dma_wait3A_871, %dma_wait3A_872, %dma_wait3A_873] : memref<6x128x64xf32, #tpu.memory_space<vmem>> -> memref<1x128x64xf32, #tpu.memory_space<vmem>>
        %dma_wait3A_875 = tpu.memref_squeeze %dma_wait3A_874 : memref<1x128x64xf32, #tpu.memory_space<vmem>> -> memref<128x64xf32, #tpu.memory_space<vmem>>
        %dma_wait3A_876 = arith.constant 0 : i32
        %dma_wait3A_877 = arith.constant 0 : i32
        %dma_wait3A_878 = tpu.memref_slice %arg4[%dma_wait3A_876, %dma_wait3A_877] : memref<320000x64xf32, #tpu.memory_space<hbm>> -> memref<128x64xf32, #tpu.memory_space<hbm>>
        %dma_wait3A_879 = arith.constant 0 : i32
        %dma_wait3A_880 = arith.constant 0 : i32
        %dma_wait3A_881 = tpu.memref_slice %arg4[%dma_wait3A_879, %dma_wait3A_880] : memref<320000x64xf32, #tpu.memory_space<hbm>> -> memref<128x64xf32, #tpu.memory_space<hbm>>
        %dma_wait3A_882 = arith.constant 0 : i32
        %dma_wait3A_883 = arith.constant 0 : i32
        %dma_wait3A_884 = tpu.memref_slice %arg9[%dma_wait3A_871, %dma_wait3A_882, %dma_wait3A_883] : memref<6x128x64xf32, #tpu.memory_space<vmem>> -> memref<1x128x64xf32, #tpu.memory_space<vmem>>
        %dma_wait3A_885 = tpu.memref_squeeze %dma_wait3A_884 : memref<1x128x64xf32, #tpu.memory_space<vmem>> -> memref<128x64xf32, #tpu.memory_space<vmem>>
        tpu.wait_dma2 semaphore(%arg23 : memref<!tpu.dma_semaphore, #tpu.memory_space<semaphore_mem>>) src(%dma_wait3A_885 : memref<128x64xf32, #tpu.memory_space<vmem>>) dst(%dma_wait3A_881 : memref<128x64xf32, #tpu.memory_space<hbm>>)
      } else {
      }
      %mul3A_589 = arith.constant 6 : i32
      %mul3A_590 = arith.muli %scan3A_109, %mul3A_589 : i32
      %add3A_591 = arith.constant 5 : i32
      %add3A_592 = arith.addi %mul3A_590, %add3A_591 : i32
      %mul3A_593 = arith.constant 128 : i32
      %mul3A_594 = arith.muli %add3A_592, %mul3A_593 : i32
      %add3A_595 = arith.constant 0 : i32
      %add3A_596 = arith.addi %mul3A_594, %add3A_595 : i32
      %get3A_597 = arith.index_cast %add3A_596 : i32 to index
      %get3A_598 = tpu.vector_load %arg7[%get3A_597] {strides = array<i32>} : memref<10000xi32, #tpu.memory_space<vmem>>, vector<16xi32>,
      %gather3A_599 = tpu.vector_load_idx %arg6[%get3A_598] : memref<10000xi32, #tpu.memory_space<vmem>>[vector<16xi32>], vector<16xi32>,
      %swap3A_600 = arith.constant 5 : i32
      %swap3A_601 = arith.index_cast %swap3A_600 : i32 to index
      %swap3A_602 = arith.constant 0 : index
      %swap3A_603 = tpu.vector_load %arg8[%swap3A_601, %swap3A_602] {strides = array<i32>} : memref<6x128xi32, #tpu.memory_space<vmem>>, vector<16xi32>,
      tpu.vector_store %arg8[%swap3A_601, %swap3A_602], %gather3A_599 {strides = array<i32>} : memref<6x128xi32, #tpu.memory_space<vmem>>, vector<16xi32>,
      %add3A_604 = arith.constant 16 : i32
      %add3A_605 = arith.addi %mul3A_594, %add3A_604 : i32
      %get3A_606 = arith.index_cast %add3A_605 : i32 to index
      %get3A_607 = tpu.vector_load %arg7[%get3A_606] {strides = array<i32>} : memref<10000xi32, #tpu.memory_space<vmem>>, vector<16xi32>,
      %gather3A_608 = tpu.vector_load_idx %arg6[%get3A_607] : memref<10000xi32, #tpu.memory_space<vmem>>[vector<16xi32>], vector<16xi32>,
      %swap3A_609 = arith.constant 5 : i32
      %swap3A_610 = arith.index_cast %swap3A_609 : i32 to index
      %swap3A_611 = arith.constant 16 : index
      %swap3A_612 = tpu.vector_load %arg8[%swap3A_610, %swap3A_611] {strides = array<i32>} : memref<6x128xi32, #tpu.memory_space<vmem>>, vector<16xi32>,
      tpu.vector_store %arg8[%swap3A_610, %swap3A_611], %gather3A_608 {strides = array<i32>} : memref<6x128xi32, #tpu.memory_space<vmem>>, vector<16xi32>,
      %add3A_613 = arith.constant 32 : i32
      %add3A_614 = arith.addi %mul3A_594, %add3A_613 : i32
      %get3A_615 = arith.index_cast %add3A_614 : i32 to index
      %get3A_616 = tpu.vector_load %arg7[%get3A_615] {strides = array<i32>} : memref<10000xi32, #tpu.memory_space<vmem>>, vector<16xi32>,
      %gather3A_617 = tpu.vector_load_idx %arg6[%get3A_616] : memref<10000xi32, #tpu.memory_space<vmem>>[vector<16xi32>], vector<16xi32>,
      %swap3A_618 = arith.constant 5 : i32
      %swap3A_619 = arith.index_cast %swap3A_618 : i32 to index
      %swap3A_620 = arith.constant 32 : index
      %swap3A_621 = tpu.vector_load %arg8[%swap3A_619, %swap3A_620] {strides = array<i32>} : memref<6x128xi32, #tpu.memory_space<vmem>>, vector<16xi32>,
      tpu.vector_store %arg8[%swap3A_619, %swap3A_620], %gather3A_617 {strides = array<i32>} : memref<6x128xi32, #tpu.memory_space<vmem>>, vector<16xi32>,
      %add3A_622 = arith.constant 48 : i32
      %add3A_623 = arith.addi %mul3A_594, %add3A_622 : i32
      %get3A_624 = arith.index_cast %add3A_623 : i32 to index
      %get3A_625 = tpu.vector_load %arg7[%get3A_624] {strides = array<i32>} : memref<10000xi32, #tpu.memory_space<vmem>>, vector<16xi32>,
      %gather3A_626 = tpu.vector_load_idx %arg6[%get3A_625] : memref<10000xi32, #tpu.memory_space<vmem>>[vector<16xi32>], vector<16xi32>,
      %swap3A_627 = arith.constant 5 : i32
      %swap3A_628 = arith.index_cast %swap3A_627 : i32 to index
      %swap3A_629 = arith.constant 48 : index
      %swap3A_630 = tpu.vector_load %arg8[%swap3A_628, %swap3A_629] {strides = array<i32>} : memref<6x128xi32, #tpu.memory_space<vmem>>, vector<16xi32>,
      tpu.vector_store %arg8[%swap3A_628, %swap3A_629], %gather3A_626 {strides = array<i32>} : memref<6x128xi32, #tpu.memory_space<vmem>>, vector<16xi32>,
      %add3A_631 = arith.constant 64 : i32
      %add3A_632 = arith.addi %mul3A_594, %add3A_631 : i32
      %get3A_633 = arith.index_cast %add3A_632 : i32 to index
      %get3A_634 = tpu.vector_load %arg7[%get3A_633] {strides = array<i32>} : memref<10000xi32, #tpu.memory_space<vmem>>, vector<16xi32>,
      %gather3A_635 = tpu.vector_load_idx %arg6[%get3A_634] : memref<10000xi32, #tpu.memory_space<vmem>>[vector<16xi32>], vector<16xi32>,
      %swap3A_636 = arith.constant 5 : i32
      %swap3A_637 = arith.index_cast %swap3A_636 : i32 to index
      %swap3A_638 = arith.constant 64 : index
      %swap3A_639 = tpu.vector_load %arg8[%swap3A_637, %swap3A_638] {strides = array<i32>} : memref<6x128xi32, #tpu.memory_space<vmem>>, vector<16xi32>,
      tpu.vector_store %arg8[%swap3A_637, %swap3A_638], %gather3A_635 {strides = array<i32>} : memref<6x128xi32, #tpu.memory_space<vmem>>, vector<16xi32>,
      %add3A_640 = arith.constant 80 : i32
      %add3A_641 = arith.addi %mul3A_594, %add3A_640 : i32
      %get3A_642 = arith.index_cast %add3A_641 : i32 to index
      %get3A_643 = tpu.vector_load %arg7[%get3A_642] {strides = array<i32>} : memref<10000xi32, #tpu.memory_space<vmem>>, vector<16xi32>,
      %gather3A_644 = tpu.vector_load_idx %arg6[%get3A_643] : memref<10000xi32, #tpu.memory_space<vmem>>[vector<16xi32>], vector<16xi32>,
      %swap3A_645 = arith.constant 5 : i32
      %swap3A_646 = arith.index_cast %swap3A_645 : i32 to index
      %swap3A_647 = arith.constant 80 : index
      %swap3A_648 = tpu.vector_load %arg8[%swap3A_646, %swap3A_647] {strides = array<i32>} : memref<6x128xi32, #tpu.memory_space<vmem>>, vector<16xi32>,
      tpu.vector_store %arg8[%swap3A_646, %swap3A_647], %gather3A_644 {strides = array<i32>} : memref<6x128xi32, #tpu.memory_space<vmem>>, vector<16xi32>,
      %add3A_649 = arith.constant 96 : i32
      %add3A_650 = arith.addi %mul3A_594, %add3A_649 : i32
      %get3A_651 = arith.index_cast %add3A_650 : i32 to index
      %get3A_652 = tpu.vector_load %arg7[%get3A_651] {strides = array<i32>} : memref<10000xi32, #tpu.memory_space<vmem>>, vector<16xi32>,
      %gather3A_653 = tpu.vector_load_idx %arg6[%get3A_652] : memref<10000xi32, #tpu.memory_space<vmem>>[vector<16xi32>], vector<16xi32>,
      %swap3A_654 = arith.constant 5 : i32
      %swap3A_655 = arith.index_cast %swap3A_654 : i32 to index
      %swap3A_656 = arith.constant 96 : index
      %swap3A_657 = tpu.vector_load %arg8[%swap3A_655, %swap3A_656] {strides = array<i32>} : memref<6x128xi32, #tpu.memory_space<vmem>>, vector<16xi32>,
      tpu.vector_store %arg8[%swap3A_655, %swap3A_656], %gather3A_653 {strides = array<i32>} : memref<6x128xi32, #tpu.memory_space<vmem>>, vector<16xi32>,
      %add3A_658 = arith.constant 112 : i32
      %add3A_659 = arith.addi %mul3A_594, %add3A_658 : i32
      %get3A_660 = arith.index_cast %add3A_659 : i32 to index
      %get3A_661 = tpu.vector_load %arg7[%get3A_660] {strides = array<i32>} : memref<10000xi32, #tpu.memory_space<vmem>>, vector<16xi32>,
      %gather3A_662 = tpu.vector_load_idx %arg6[%get3A_661] : memref<10000xi32, #tpu.memory_space<vmem>>[vector<16xi32>], vector<16xi32>,
      %swap3A_663 = arith.constant 5 : i32
      %swap3A_664 = arith.index_cast %swap3A_663 : i32 to index
      %swap3A_665 = arith.constant 112 : index
      %swap3A_666 = tpu.vector_load %arg8[%swap3A_664, %swap3A_665] {strides = array<i32>} : memref<6x128xi32, #tpu.memory_space<vmem>>, vector<16xi32>,
      tpu.vector_store %arg8[%swap3A_664, %swap3A_665], %gather3A_662 {strides = array<i32>} : memref<6x128xi32, #tpu.memory_space<vmem>>, vector<16xi32>,
      %dma_start3A_667 = arith.constant 5 : i32
      %dma_start3A_668 = arith.constant 5 : i32
      %dma_start3A_669 = arith.constant 0 : i32
      %dma_start3A_670 = arith.constant 0 : i32
      %dma_start3A_671 = tpu.memref_slice %arg9[%dma_start3A_668, %dma_start3A_669, %dma_start3A_670] : memref<6x128x64xf32, #tpu.memory_space<vmem>> -> memref<1x128x64xf32, #tpu.memory_space<vmem>>
      %dma_start3A_672 = tpu.memref_squeeze %dma_start3A_671 : memref<1x128x64xf32, #tpu.memory_space<vmem>> -> memref<128x64xf32, #tpu.memory_space<vmem>>
      %dma_start3A_673 = arith.constant 0 : i32
      %dma_start3A_674 = tpu.memref_slice %arg8[%dma_start3A_667, %dma_start3A_673] : memref<6x128xi32, #tpu.memory_space<vmem>> -> memref<1x128xi32, #tpu.memory_space<vmem>>
      %dma_start3A_675 = tpu.memref_squeeze %dma_start3A_674 : memref<1x128xi32, #tpu.memory_space<vmem>> -> memref<128xi32, #tpu.memory_space<vmem>>
      %dma_start3A_676 = arith.constant 0 : i32
      %dma_start3A_677 = arith.constant 0 : i32
      %dma_start3A_678 = tpu.memref_slice %arg5[%dma_start3A_676, %dma_start3A_677] : memref<10000x64xf32, #tpu.memory_space<vmem_shared>> -> memref<10000x64xf32, #tpu.memory_space<vmem_shared>>
      tpu.enqueue_indirect_dma source(%dma_start3A_678 : memref<10000x64xf32, #tpu.memory_space<vmem_shared>>) target(%dma_start3A_672 : memref<128x64xf32, #tpu.memory_space<vmem>>) offsets(%dma_start3A_675 : memref<128xi32, #tpu.memory_space<vmem>>) semaphore(%arg17 : memref<!tpu.dma_semaphore, #tpu.memory_space<semaphore_mem>>)
      %dma_wait3A_679 = arith.constant 0 : i32
      %dma_wait3A_680 = arith.constant 0 : i32
      %dma_wait3A_681 = arith.constant 0 : i32
      %dma_wait3A_682 = arith.constant 0 : i32
      %dma_wait3A_683 = tpu.memref_slice %arg9[%dma_wait3A_680, %dma_wait3A_681, %dma_wait3A_682] : memref<6x128x64xf32, #tpu.memory_space<vmem>> -> memref<1x128x64xf32, #tpu.memory_space<vmem>>
      %dma_wait3A_684 = tpu.memref_squeeze %dma_wait3A_683 : memref<1x128x64xf32, #tpu.memory_space<vmem>> -> memref<128x64xf32, #tpu.memory_space<vmem>>
      %dma_wait3A_685 = arith.constant 0 : i32
      %dma_wait3A_686 = tpu.memref_slice %arg8[%dma_wait3A_679, %dma_wait3A_685] : memref<6x128xi32, #tpu.memory_space<vmem>> -> memref<1x128xi32, #tpu.memory_space<vmem>>
      %dma_wait3A_687 = tpu.memref_squeeze %dma_wait3A_686 : memref<1x128xi32, #tpu.memory_space<vmem>> -> memref<128xi32, #tpu.memory_space<vmem>>
      %dma_wait3A_688 = arith.constant 0 : i32
      %dma_wait3A_689 = arith.constant 0 : i32
      %dma_wait3A_690 = tpu.memref_slice %arg5[%dma_wait3A_688, %dma_wait3A_689] : memref<10000x64xf32, #tpu.memory_space<vmem_shared>> -> memref<10000x64xf32, #tpu.memory_space<vmem_shared>>
      tpu.wait_indirect_dma semaphore(%arg12 : memref<!tpu.dma_semaphore, #tpu.memory_space<semaphore_mem>>) src(%dma_wait3A_690 : memref<10000x64xf32, #tpu.memory_space<vmem_shared>>) dst(%dma_wait3A_684 : memref<128x64xf32, #tpu.memory_space<vmem>>)
      %mul3A_691 = arith.constant 6 : i32
      %mul3A_692 = arith.muli %scan3A_109, %mul3A_691 : i32
      %add3A_693 = arith.constant 0 : i32
      %add3A_694 = arith.addi %mul3A_692, %add3A_693 : i32
      %mul3A_695 = arith.constant 128 : i32
      %mul3A_696 = arith.muli %add3A_694, %mul3A_695 : i32
      %add3A_697 = arith.addi %mul3A_2, %mul3A_696 : i32
      %dma_start3A_698 = arith.constant 0 : i32
      %dma_start3A_699 = arith.constant 0 : i32
      %dma_start3A_700 = arith.constant 0 : i32
      %dma_start3A_701 = tpu.memref_slice %arg9[%dma_start3A_698, %dma_start3A_699, %dma_start3A_700] : memref<6x128x64xf32, #tpu.memory_space<vmem>> -> memref<1x128x64xf32, #tpu.memory_space<vmem>>
      %dma_start3A_702 = tpu.memref_squeeze %dma_start3A_701 : memref<1x128x64xf32, #tpu.memory_space<vmem>> -> memref<128x64xf32, #tpu.memory_space<vmem>>
      %dma_start3A_703 = arith.constant 0 : i32
      %dma_start3A_704 = tpu.memref_slice %arg4[%add3A_697, %dma_start3A_703] : memref<320000x64xf32, #tpu.memory_space<hbm>> -> memref<128x64xf32, #tpu.memory_space<hbm>>
      %dma_start3A_705 = arith.constant 0 : i32
      %dma_start3A_706 = tpu.memref_slice %arg4[%add3A_697, %dma_start3A_705] : memref<320000x64xf32, #tpu.memory_space<hbm>> -> memref<128x64xf32, #tpu.memory_space<hbm>>
      %dma_start3A_707 = arith.constant 0 : i32
      %dma_start3A_708 = arith.constant 0 : i32
      %dma_start3A_709 = tpu.memref_slice %arg9[%dma_start3A_698, %dma_start3A_707, %dma_start3A_708] : memref<6x128x64xf32, #tpu.memory_space<vmem>> -> memref<1x128x64xf32, #tpu.memory_space<vmem>>
      %dma_start3A_710 = tpu.memref_squeeze %dma_start3A_709 : memref<1x128x64xf32, #tpu.memory_space<vmem>> -> memref<128x64xf32, #tpu.memory_space<vmem>>
      tpu.enqueue_dma source(%dma_start3A_710 : memref<128x64xf32, #tpu.memory_space<vmem>>) target(%dma_start3A_706 : memref<128x64xf32, #tpu.memory_space<hbm>>) target_semaphore(%arg18 : memref<!tpu.dma_semaphore, #tpu.memory_space<semaphore_mem>>)
      %dma_wait3A_711 = arith.constant 1 : i32
      %dma_wait3A_712 = arith.constant 1 : i32
      %dma_wait3A_713 = arith.constant 0 : i32
      %dma_wait3A_714 = arith.constant 0 : i32
      %dma_wait3A_715 = tpu.memref_slice %arg9[%dma_wait3A_712, %dma_wait3A_713, %dma_wait3A_714] : memref<6x128x64xf32, #tpu.memory_space<vmem>> -> memref<1x128x64xf32, #tpu.memory_space<vmem>>
      %dma_wait3A_716 = tpu.memref_squeeze %dma_wait3A_715 : memref<1x128x64xf32, #tpu.memory_space<vmem>> -> memref<128x64xf32, #tpu.memory_space<vmem>>
      %dma_wait3A_717 = arith.constant 0 : i32
      %dma_wait3A_718 = tpu.memref_slice %arg8[%dma_wait3A_711, %dma_wait3A_717] : memref<6x128xi32, #tpu.memory_space<vmem>> -> memref<1x128xi32, #tpu.memory_space<vmem>>
      %dma_wait3A_719 = tpu.memref_squeeze %dma_wait3A_718 : memref<1x128xi32, #tpu.memory_space<vmem>> -> memref<128xi32, #tpu.memory_space<vmem>>
      %dma_wait3A_720 = arith.constant 0 : i32
      %dma_wait3A_721 = arith.constant 0 : i32
      %dma_wait3A_722 = tpu.memref_slice %arg5[%dma_wait3A_720, %dma_wait3A_721] : memref<10000x64xf32, #tpu.memory_space<vmem_shared>> -> memref<10000x64xf32, #tpu.memory_space<vmem_shared>>
      tpu.wait_indirect_dma semaphore(%arg13 : memref<!tpu.dma_semaphore, #tpu.memory_space<semaphore_mem>>) src(%dma_wait3A_722 : memref<10000x64xf32, #tpu.memory_space<vmem_shared>>) dst(%dma_wait3A_716 : memref<128x64xf32, #tpu.memory_space<vmem>>)
      %mul3A_723 = arith.constant 6 : i32
      %mul3A_724 = arith.muli %scan3A_109, %mul3A_723 : i32
      %add3A_725 = arith.constant 1 : i32
      %add3A_726 = arith.addi %mul3A_724, %add3A_725 : i32
      %mul3A_727 = arith.constant 128 : i32
      %mul3A_728 = arith.muli %add3A_726, %mul3A_727 : i32
      %add3A_729 = arith.addi %mul3A_2, %mul3A_728 : i32
      %dma_start3A_730 = arith.constant 1 : i32
      %dma_start3A_731 = arith.constant 0 : i32
      %dma_start3A_732 = arith.constant 0 : i32
      %dma_start3A_733 = tpu.memref_slice %arg9[%dma_start3A_730, %dma_start3A_731, %dma_start3A_732] : memref<6x128x64xf32, #tpu.memory_space<vmem>> -> memref<1x128x64xf32, #tpu.memory_space<vmem>>
      %dma_start3A_734 = tpu.memref_squeeze %dma_start3A_733 : memref<1x128x64xf32, #tpu.memory_space<vmem>> -> memref<128x64xf32, #tpu.memory_space<vmem>>
      %dma_start3A_735 = arith.constant 0 : i32
      %dma_start3A_736 = tpu.memref_slice %arg4[%add3A_729, %dma_start3A_735] : memref<320000x64xf32, #tpu.memory_space<hbm>> -> memref<128x64xf32, #tpu.memory_space<hbm>>
      %dma_start3A_737 = arith.constant 0 : i32
      %dma_start3A_738 = tpu.memref_slice %arg4[%add3A_729, %dma_start3A_737] : memref<320000x64xf32, #tpu.memory_space<hbm>> -> memref<128x64xf32, #tpu.memory_space<hbm>>
      %dma_start3A_739 = arith.constant 0 : i32
      %dma_start3A_740 = arith.constant 0 : i32
      %dma_start3A_741 = tpu.memref_slice %arg9[%dma_start3A_730, %dma_start3A_739, %dma_start3A_740] : memref<6x128x64xf32, #tpu.memory_space<vmem>> -> memref<1x128x64xf32, #tpu.memory_space<vmem>>
      %dma_start3A_742 = tpu.memref_squeeze %dma_start3A_741 : memref<1x128x64xf32, #tpu.memory_space<vmem>> -> memref<128x64xf32, #tpu.memory_space<vmem>>
      tpu.enqueue_dma source(%dma_start3A_742 : memref<128x64xf32, #tpu.memory_space<vmem>>) target(%dma_start3A_738 : memref<128x64xf32, #tpu.memory_space<hbm>>) target_semaphore(%arg19 : memref<!tpu.dma_semaphore, #tpu.memory_space<semaphore_mem>>)
      %dma_wait3A_743 = arith.constant 2 : i32
      %dma_wait3A_744 = arith.constant 2 : i32
      %dma_wait3A_745 = arith.constant 0 : i32
      %dma_wait3A_746 = arith.constant 0 : i32
      %dma_wait3A_747 = tpu.memref_slice %arg9[%dma_wait3A_744, %dma_wait3A_745, %dma_wait3A_746] : memref<6x128x64xf32, #tpu.memory_space<vmem>> -> memref<1x128x64xf32, #tpu.memory_space<vmem>>
      %dma_wait3A_748 = tpu.memref_squeeze %dma_wait3A_747 : memref<1x128x64xf32, #tpu.memory_space<vmem>> -> memref<128x64xf32, #tpu.memory_space<vmem>>
      %dma_wait3A_749 = arith.constant 0 : i32
      %dma_wait3A_750 = tpu.memref_slice %arg8[%dma_wait3A_743, %dma_wait3A_749] : memref<6x128xi32, #tpu.memory_space<vmem>> -> memref<1x128xi32, #tpu.memory_space<vmem>>
      %dma_wait3A_751 = tpu.memref_squeeze %dma_wait3A_750 : memref<1x128xi32, #tpu.memory_space<vmem>> -> memref<128xi32, #tpu.memory_space<vmem>>
      %dma_wait3A_752 = arith.constant 0 : i32
      %dma_wait3A_753 = arith.constant 0 : i32
      %dma_wait3A_754 = tpu.memref_slice %arg5[%dma_wait3A_752, %dma_wait3A_753] : memref<10000x64xf32, #tpu.memory_space<vmem_shared>> -> memref<10000x64xf32, #tpu.memory_space<vmem_shared>>
      tpu.wait_indirect_dma semaphore(%arg14 : memref<!tpu.dma_semaphore, #tpu.memory_space<semaphore_mem>>) src(%dma_wait3A_754 : memref<10000x64xf32, #tpu.memory_space<vmem_shared>>) dst(%dma_wait3A_748 : memref<128x64xf32, #tpu.memory_space<vmem>>)
      %mul3A_755 = arith.constant 6 : i32
      %mul3A_756 = arith.muli %scan3A_109, %mul3A_755 : i32
      %add3A_757 = arith.constant 2 : i32
      %add3A_758 = arith.addi %mul3A_756, %add3A_757 : i32
      %mul3A_759 = arith.constant 128 : i32
      %mul3A_760 = arith.muli %add3A_758, %mul3A_759 : i32
      %add3A_761 = arith.addi %mul3A_2, %mul3A_760 : i32
      %dma_start3A_762 = arith.constant 2 : i32
      %dma_start3A_763 = arith.constant 0 : i32
      %dma_start3A_764 = arith.constant 0 : i32
      %dma_start3A_765 = tpu.memref_slice %arg9[%dma_start3A_762, %dma_start3A_763, %dma_start3A_764] : memref<6x128x64xf32, #tpu.memory_space<vmem>> -> memref<1x128x64xf32, #tpu.memory_space<vmem>>
      %dma_start3A_766 = tpu.memref_squeeze %dma_start3A_765 : memref<1x128x64xf32, #tpu.memory_space<vmem>> -> memref<128x64xf32, #tpu.memory_space<vmem>>
      %dma_start3A_767 = arith.constant 0 : i32
      %dma_start3A_768 = tpu.memref_slice %arg4[%add3A_761, %dma_start3A_767] : memref<320000x64xf32, #tpu.memory_space<hbm>> -> memref<128x64xf32, #tpu.memory_space<hbm>>
      %dma_start3A_769 = arith.constant 0 : i32
      %dma_start3A_770 = tpu.memref_slice %arg4[%add3A_761, %dma_start3A_769] : memref<320000x64xf32, #tpu.memory_space<hbm>> -> memref<128x64xf32, #tpu.memory_space<hbm>>
      %dma_start3A_771 = arith.constant 0 : i32
      %dma_start3A_772 = arith.constant 0 : i32
      %dma_start3A_773 = tpu.memref_slice %arg9[%dma_start3A_762, %dma_start3A_771, %dma_start3A_772] : memref<6x128x64xf32, #tpu.memory_space<vmem>> -> memref<1x128x64xf32, #tpu.memory_space<vmem>>
      %dma_start3A_774 = tpu.memref_squeeze %dma_start3A_773 : memref<1x128x64xf32, #tpu.memory_space<vmem>> -> memref<128x64xf32, #tpu.memory_space<vmem>>
      tpu.enqueue_dma source(%dma_start3A_774 : memref<128x64xf32, #tpu.memory_space<vmem>>) target(%dma_start3A_770 : memref<128x64xf32, #tpu.memory_space<hbm>>) target_semaphore(%arg20 : memref<!tpu.dma_semaphore, #tpu.memory_space<semaphore_mem>>)
      %dma_wait3A_775 = arith.constant 3 : i32
      %dma_wait3A_776 = arith.constant 3 : i32
      %dma_wait3A_777 = arith.constant 0 : i32
      %dma_wait3A_778 = arith.constant 0 : i32
      %dma_wait3A_779 = tpu.memref_slice %arg9[%dma_wait3A_776, %dma_wait3A_777, %dma_wait3A_778] : memref<6x128x64xf32, #tpu.memory_space<vmem>> -> memref<1x128x64xf32, #tpu.memory_space<vmem>>
      %dma_wait3A_780 = tpu.memref_squeeze %dma_wait3A_779 : memref<1x128x64xf32, #tpu.memory_space<vmem>> -> memref<128x64xf32, #tpu.memory_space<vmem>>
      %dma_wait3A_781 = arith.constant 0 : i32
      %dma_wait3A_782 = tpu.memref_slice %arg8[%dma_wait3A_775, %dma_wait3A_781] : memref<6x128xi32, #tpu.memory_space<vmem>> -> memref<1x128xi32, #tpu.memory_space<vmem>>
      %dma_wait3A_783 = tpu.memref_squeeze %dma_wait3A_782 : memref<1x128xi32, #tpu.memory_space<vmem>> -> memref<128xi32, #tpu.memory_space<vmem>>
      %dma_wait3A_784 = arith.constant 0 : i32
      %dma_wait3A_785 = arith.constant 0 : i32
      %dma_wait3A_786 = tpu.memref_slice %arg5[%dma_wait3A_784, %dma_wait3A_785] : memref<10000x64xf32, #tpu.memory_space<vmem_shared>> -> memref<10000x64xf32, #tpu.memory_space<vmem_shared>>
      tpu.wait_indirect_dma semaphore(%arg15 : memref<!tpu.dma_semaphore, #tpu.memory_space<semaphore_mem>>) src(%dma_wait3A_786 : memref<10000x64xf32, #tpu.memory_space<vmem_shared>>) dst(%dma_wait3A_780 : memref<128x64xf32, #tpu.memory_space<vmem>>)
      %mul3A_787 = arith.constant 6 : i32
      %mul3A_788 = arith.muli %scan3A_109, %mul3A_787 : i32
      %add3A_789 = arith.constant 3 : i32
      %add3A_790 = arith.addi %mul3A_788, %add3A_789 : i32
      %mul3A_791 = arith.constant 128 : i32
      %mul3A_792 = arith.muli %add3A_790, %mul3A_791 : i32
      %add3A_793 = arith.addi %mul3A_2, %mul3A_792 : i32
      %dma_start3A_794 = arith.constant 3 : i32
      %dma_start3A_795 = arith.constant 0 : i32
      %dma_start3A_796 = arith.constant 0 : i32
      %dma_start3A_797 = tpu.memref_slice %arg9[%dma_start3A_794, %dma_start3A_795, %dma_start3A_796] : memref<6x128x64xf32, #tpu.memory_space<vmem>> -> memref<1x128x64xf32, #tpu.memory_space<vmem>>
      %dma_start3A_798 = tpu.memref_squeeze %dma_start3A_797 : memref<1x128x64xf32, #tpu.memory_space<vmem>> -> memref<128x64xf32, #tpu.memory_space<vmem>>
      %dma_start3A_799 = arith.constant 0 : i32
      %dma_start3A_800 = tpu.memref_slice %arg4[%add3A_793, %dma_start3A_799] : memref<320000x64xf32, #tpu.memory_space<hbm>> -> memref<128x64xf32, #tpu.memory_space<hbm>>
      %dma_start3A_801 = arith.constant 0 : i32
      %dma_start3A_802 = tpu.memref_slice %arg4[%add3A_793, %dma_start3A_801] : memref<320000x64xf32, #tpu.memory_space<hbm>> -> memref<128x64xf32, #tpu.memory_space<hbm>>
      %dma_start3A_803 = arith.constant 0 : i32
      %dma_start3A_804 = arith.constant 0 : i32
      %dma_start3A_805 = tpu.memref_slice %arg9[%dma_start3A_794, %dma_start3A_803, %dma_start3A_804] : memref<6x128x64xf32, #tpu.memory_space<vmem>> -> memref<1x128x64xf32, #tpu.memory_space<vmem>>
      %dma_start3A_806 = tpu.memref_squeeze %dma_start3A_805 : memref<1x128x64xf32, #tpu.memory_space<vmem>> -> memref<128x64xf32, #tpu.memory_space<vmem>>
      tpu.enqueue_dma source(%dma_start3A_806 : memref<128x64xf32, #tpu.memory_space<vmem>>) target(%dma_start3A_802 : memref<128x64xf32, #tpu.memory_space<hbm>>) target_semaphore(%arg21 : memref<!tpu.dma_semaphore, #tpu.memory_space<semaphore_mem>>)
      %dma_wait3A_807 = arith.constant 4 : i32
      %dma_wait3A_808 = arith.constant 4 : i32
      %dma_wait3A_809 = arith.constant 0 : i32
      %dma_wait3A_810 = arith.constant 0 : i32
      %dma_wait3A_811 = tpu.memref_slice %arg9[%dma_wait3A_808, %dma_wait3A_809, %dma_wait3A_810] : memref<6x128x64xf32, #tpu.memory_space<vmem>> -> memref<1x128x64xf32, #tpu.memory_space<vmem>>
      %dma_wait3A_812 = tpu.memref_squeeze %dma_wait3A_811 : memref<1x128x64xf32, #tpu.memory_space<vmem>> -> memref<128x64xf32, #tpu.memory_space<vmem>>
      %dma_wait3A_813 = arith.constant 0 : i32
      %dma_wait3A_814 = tpu.memref_slice %arg8[%dma_wait3A_807, %dma_wait3A_813] : memref<6x128xi32, #tpu.memory_space<vmem>> -> memref<1x128xi32, #tpu.memory_space<vmem>>
      %dma_wait3A_815 = tpu.memref_squeeze %dma_wait3A_814 : memref<1x128xi32, #tpu.memory_space<vmem>> -> memref<128xi32, #tpu.memory_space<vmem>>
      %dma_wait3A_816 = arith.constant 0 : i32
      %dma_wait3A_817 = arith.constant 0 : i32
      %dma_wait3A_818 = tpu.memref_slice %arg5[%dma_wait3A_816, %dma_wait3A_817] : memref<10000x64xf32, #tpu.memory_space<vmem_shared>> -> memref<10000x64xf32, #tpu.memory_space<vmem_shared>>
      tpu.wait_indirect_dma semaphore(%arg16 : memref<!tpu.dma_semaphore, #tpu.memory_space<semaphore_mem>>) src(%dma_wait3A_818 : memref<10000x64xf32, #tpu.memory_space<vmem_shared>>) dst(%dma_wait3A_812 : memref<128x64xf32, #tpu.memory_space<vmem>>)
      %mul3A_819 = arith.constant 6 : i32
      %mul3A_820 = arith.muli %scan3A_109, %mul3A_819 : i32
      %add3A_821 = arith.constant 4 : i32
      %add3A_822 = arith.addi %mul3A_820, %add3A_821 : i32
      %mul3A_823 = arith.constant 128 : i32
      %mul3A_824 = arith.muli %add3A_822, %mul3A_823 : i32
      %add3A_825 = arith.addi %mul3A_2, %mul3A_824 : i32
      %dma_start3A_826 = arith.constant 4 : i32
      %dma_start3A_827 = arith.constant 0 : i32
      %dma_start3A_828 = arith.constant 0 : i32
      %dma_start3A_829 = tpu.memref_slice %arg9[%dma_start3A_826, %dma_start3A_827, %dma_start3A_828] : memref<6x128x64xf32, #tpu.memory_space<vmem>> -> memref<1x128x64xf32, #tpu.memory_space<vmem>>
      %dma_start3A_830 = tpu.memref_squeeze %dma_start3A_829 : memref<1x128x64xf32, #tpu.memory_space<vmem>> -> memref<128x64xf32, #tpu.memory_space<vmem>>
      %dma_start3A_831 = arith.constant 0 : i32
      %dma_start3A_832 = tpu.memref_slice %arg4[%add3A_825, %dma_start3A_831] : memref<320000x64xf32, #tpu.memory_space<hbm>> -> memref<128x64xf32, #tpu.memory_space<hbm>>
      %dma_start3A_833 = arith.constant 0 : i32
      %dma_start3A_834 = tpu.memref_slice %arg4[%add3A_825, %dma_start3A_833] : memref<320000x64xf32, #tpu.memory_space<hbm>> -> memref<128x64xf32, #tpu.memory_space<hbm>>
      %dma_start3A_835 = arith.constant 0 : i32
      %dma_start3A_836 = arith.constant 0 : i32
      %dma_start3A_837 = tpu.memref_slice %arg9[%dma_start3A_826, %dma_start3A_835, %dma_start3A_836] : memref<6x128x64xf32, #tpu.memory_space<vmem>> -> memref<1x128x64xf32, #tpu.memory_space<vmem>>
      %dma_start3A_838 = tpu.memref_squeeze %dma_start3A_837 : memref<1x128x64xf32, #tpu.memory_space<vmem>> -> memref<128x64xf32, #tpu.memory_space<vmem>>
      tpu.enqueue_dma source(%dma_start3A_838 : memref<128x64xf32, #tpu.memory_space<vmem>>) target(%dma_start3A_834 : memref<128x64xf32, #tpu.memory_space<hbm>>) target_semaphore(%arg22 : memref<!tpu.dma_semaphore, #tpu.memory_space<semaphore_mem>>)
      %dma_wait3A_839 = arith.constant 5 : i32
      %dma_wait3A_840 = arith.constant 5 : i32
      %dma_wait3A_841 = arith.constant 0 : i32
      %dma_wait3A_842 = arith.constant 0 : i32
      %dma_wait3A_843 = tpu.memref_slice %arg9[%dma_wait3A_840, %dma_wait3A_841, %dma_wait3A_842] : memref<6x128x64xf32, #tpu.memory_space<vmem>> -> memref<1x128x64xf32, #tpu.memory_space<vmem>>
      %dma_wait3A_844 = tpu.memref_squeeze %dma_wait3A_843 : memref<1x128x64xf32, #tpu.memory_space<vmem>> -> memref<128x64xf32, #tpu.memory_space<vmem>>
      %dma_wait3A_845 = arith.constant 0 : i32
      %dma_wait3A_846 = tpu.memref_slice %arg8[%dma_wait3A_839, %dma_wait3A_845] : memref<6x128xi32, #tpu.memory_space<vmem>> -> memref<1x128xi32, #tpu.memory_space<vmem>>
      %dma_wait3A_847 = tpu.memref_squeeze %dma_wait3A_846 : memref<1x128xi32, #tpu.memory_space<vmem>> -> memref<128xi32, #tpu.memory_space<vmem>>
      %dma_wait3A_848 = arith.constant 0 : i32
      %dma_wait3A_849 = arith.constant 0 : i32
      %dma_wait3A_850 = tpu.memref_slice %arg5[%dma_wait3A_848, %dma_wait3A_849] : memref<10000x64xf32, #tpu.memory_space<vmem_shared>> -> memref<10000x64xf32, #tpu.memory_space<vmem_shared>>
      tpu.wait_indirect_dma semaphore(%arg17 : memref<!tpu.dma_semaphore, #tpu.memory_space<semaphore_mem>>) src(%dma_wait3A_850 : memref<10000x64xf32, #tpu.memory_space<vmem_shared>>) dst(%dma_wait3A_844 : memref<128x64xf32, #tpu.memory_space<vmem>>)
      %mul3A_851 = arith.constant 6 : i32
      %mul3A_852 = arith.muli %scan3A_109, %mul3A_851 : i32
      %add3A_853 = arith.constant 5 : i32
      %add3A_854 = arith.addi %mul3A_852, %add3A_853 : i32
      %mul3A_855 = arith.constant 128 : i32
      %mul3A_856 = arith.muli %add3A_854, %mul3A_855 : i32
      %add3A_857 = arith.addi %mul3A_2, %mul3A_856 : i32
      %dma_start3A_858 = arith.constant 5 : i32
      %dma_start3A_859 = arith.constant 0 : i32
      %dma_start3A_860 = arith.constant 0 : i32
      %dma_start3A_861 = tpu.memref_slice %arg9[%dma_start3A_858, %dma_start3A_859, %dma_start3A_860] : memref<6x128x64xf32, #tpu.memory_space<vmem>> -> memref<1x128x64xf32, #tpu.memory_space<vmem>>
      %dma_start3A_862 = tpu.memref_squeeze %dma_start3A_861 : memref<1x128x64xf32, #tpu.memory_space<vmem>> -> memref<128x64xf32, #tpu.memory_space<vmem>>
      %dma_start3A_863 = arith.constant 0 : i32
      %dma_start3A_864 = tpu.memref_slice %arg4[%add3A_857, %dma_start3A_863] : memref<320000x64xf32, #tpu.memory_space<hbm>> -> memref<128x64xf32, #tpu.memory_space<hbm>>
      %dma_start3A_865 = arith.constant 0 : i32
      %dma_start3A_866 = tpu.memref_slice %arg4[%add3A_857, %dma_start3A_865] : memref<320000x64xf32, #tpu.memory_space<hbm>> -> memref<128x64xf32, #tpu.memory_space<hbm>>
      %dma_start3A_867 = arith.constant 0 : i32
      %dma_start3A_868 = arith.constant 0 : i32
      %dma_start3A_869 = tpu.memref_slice %arg9[%dma_start3A_858, %dma_start3A_867, %dma_start3A_868] : memref<6x128x64xf32, #tpu.memory_space<vmem>> -> memref<1x128x64xf32, #tpu.memory_space<vmem>>
      %dma_start3A_870 = tpu.memref_squeeze %dma_start3A_869 : memref<1x128x64xf32, #tpu.memory_space<vmem>> -> memref<128x64xf32, #tpu.memory_space<vmem>>
      tpu.enqueue_dma source(%dma_start3A_870 : memref<128x64xf32, #tpu.memory_space<vmem>>) target(%dma_start3A_866 : memref<128x64xf32, #tpu.memory_space<hbm>>) target_semaphore(%arg23 : memref<!tpu.dma_semaphore, #tpu.memory_space<semaphore_mem>>)
    }
    %scan3A_10 = arith.constant 13 : i32
    %dma_wait3A = arith.constant 0 : i32
    %dma_wait3A_11 = arith.constant 0 : i32
    %dma_wait3A_12 = arith.constant 0 : i32
    %dma_wait3A_13 = tpu.memref_slice %arg9[%dma_wait3A, %dma_wait3A_11, %dma_wait3A_12] : memref<6x128x64xf32, #tpu.memory_space<vmem>> -> memref<1x128x64xf32, #tpu.memory_space<vmem>>
    %dma_wait3A_14 = tpu.memref_squeeze %dma_wait3A_13 : memref<1x128x64xf32, #tpu.memory_space<vmem>> -> memref<128x64xf32, #tpu.memory_space<vmem>>
    %dma_wait3A_15 = arith.constant 0 : i32
    %dma_wait3A_16 = arith.constant 0 : i32
    %dma_wait3A_17 = tpu.memref_slice %arg4[%dma_wait3A_15, %dma_wait3A_16] : memref<320000x64xf32, #tpu.memory_space<hbm>> -> memref<128x64xf32, #tpu.memory_space<hbm>>
    %dma_wait3A_18 = arith.constant 0 : i32
    %dma_wait3A_19 = arith.constant 0 : i32
    %dma_wait3A_20 = tpu.memref_slice %arg4[%dma_wait3A_18, %dma_wait3A_19] : memref<320000x64xf32, #tpu.memory_space<hbm>> -> memref<128x64xf32, #tpu.memory_space<hbm>>
    %dma_wait3A_21 = arith.constant 0 : i32
    %dma_wait3A_22 = arith.constant 0 : i32
    %dma_wait3A_23 = tpu.memref_slice %arg9[%dma_wait3A, %dma_wait3A_21, %dma_wait3A_22] : memref<6x128x64xf32, #tpu.memory_space<vmem>> -> memref<1x128x64xf32, #tpu.memory_space<vmem>>
    %dma_wait3A_24 = tpu.memref_squeeze %dma_wait3A_23 : memref<1x128x64xf32, #tpu.memory_space<vmem>> -> memref<128x64xf32, #tpu.memory_space<vmem>>
    tpu.wait_dma2 semaphore(%arg18 : memref<!tpu.dma_semaphore, #tpu.memory_space<semaphore_mem>>) src(%dma_wait3A_24 : memref<128x64xf32, #tpu.memory_space<vmem>>) dst(%dma_wait3A_20 : memref<128x64xf32, #tpu.memory_space<hbm>>)
    %dma_wait3A_25 = arith.constant 1 : i32
    %dma_wait3A_26 = arith.constant 0 : i32
    %dma_wait3A_27 = arith.constant 0 : i32
    %dma_wait3A_28 = tpu.memref_slice %arg9[%dma_wait3A_25, %dma_wait3A_26, %dma_wait3A_27] : memref<6x128x64xf32, #tpu.memory_space<vmem>> -> memref<1x128x64xf32, #tpu.memory_space<vmem>>
    %dma_wait3A_29 = tpu.memref_squeeze %dma_wait3A_28 : memref<1x128x64xf32, #tpu.memory_space<vmem>> -> memref<128x64xf32, #tpu.memory_space<vmem>>
    %dma_wait3A_30 = arith.constant 0 : i32
    %dma_wait3A_31 = arith.constant 0 : i32
    %dma_wait3A_32 = tpu.memref_slice %arg4[%dma_wait3A_30, %dma_wait3A_31] : memref<320000x64xf32, #tpu.memory_space<hbm>> -> memref<128x64xf32, #tpu.memory_space<hbm>>
    %dma_wait3A_33 = arith.constant 0 : i32
    %dma_wait3A_34 = arith.constant 0 : i32
    %dma_wait3A_35 = tpu.memref_slice %arg4[%dma_wait3A_33, %dma_wait3A_34] : memref<320000x64xf32, #tpu.memory_space<hbm>> -> memref<128x64xf32, #tpu.memory_space<hbm>>
    %dma_wait3A_36 = arith.constant 0 : i32
    %dma_wait3A_37 = arith.constant 0 : i32
    %dma_wait3A_38 = tpu.memref_slice %arg9[%dma_wait3A_25, %dma_wait3A_36, %dma_wait3A_37] : memref<6x128x64xf32, #tpu.memory_space<vmem>> -> memref<1x128x64xf32, #tpu.memory_space<vmem>>
    %dma_wait3A_39 = tpu.memref_squeeze %dma_wait3A_38 : memref<1x128x64xf32, #tpu.memory_space<vmem>> -> memref<128x64xf32, #tpu.memory_space<vmem>>
    tpu.wait_dma2 semaphore(%arg19 : memref<!tpu.dma_semaphore, #tpu.memory_space<semaphore_mem>>) src(%dma_wait3A_39 : memref<128x64xf32, #tpu.memory_space<vmem>>) dst(%dma_wait3A_35 : memref<128x64xf32, #tpu.memory_space<hbm>>)
    %dma_wait3A_40 = arith.constant 2 : i32
    %dma_wait3A_41 = arith.constant 0 : i32
    %dma_wait3A_42 = arith.constant 0 : i32
    %dma_wait3A_43 = tpu.memref_slice %arg9[%dma_wait3A_40, %dma_wait3A_41, %dma_wait3A_42] : memref<6x128x64xf32, #tpu.memory_space<vmem>> -> memref<1x128x64xf32, #tpu.memory_space<vmem>>
    %dma_wait3A_44 = tpu.memref_squeeze %dma_wait3A_43 : memref<1x128x64xf32, #tpu.memory_space<vmem>> -> memref<128x64xf32, #tpu.memory_space<vmem>>
    %dma_wait3A_45 = arith.constant 0 : i32
    %dma_wait3A_46 = arith.constant 0 : i32
    %dma_wait3A_47 = tpu.memref_slice %arg4[%dma_wait3A_45, %dma_wait3A_46] : memref<320000x64xf32, #tpu.memory_space<hbm>> -> memref<128x64xf32, #tpu.memory_space<hbm>>
    %dma_wait3A_48 = arith.constant 0 : i32
    %dma_wait3A_49 = arith.constant 0 : i32
    %dma_wait3A_50 = tpu.memref_slice %arg4[%dma_wait3A_48, %dma_wait3A_49] : memref<320000x64xf32, #tpu.memory_space<hbm>> -> memref<128x64xf32, #tpu.memory_space<hbm>>
    %dma_wait3A_51 = arith.constant 0 : i32
    %dma_wait3A_52 = arith.constant 0 : i32
    %dma_wait3A_53 = tpu.memref_slice %arg9[%dma_wait3A_40, %dma_wait3A_51, %dma_wait3A_52] : memref<6x128x64xf32, #tpu.memory_space<vmem>> -> memref<1x128x64xf32, #tpu.memory_space<vmem>>
    %dma_wait3A_54 = tpu.memref_squeeze %dma_wait3A_53 : memref<1x128x64xf32, #tpu.memory_space<vmem>> -> memref<128x64xf32, #tpu.memory_space<vmem>>
    tpu.wait_dma2 semaphore(%arg20 : memref<!tpu.dma_semaphore, #tpu.memory_space<semaphore_mem>>) src(%dma_wait3A_54 : memref<128x64xf32, #tpu.memory_space<vmem>>) dst(%dma_wait3A_50 : memref<128x64xf32, #tpu.memory_space<hbm>>)
    %dma_wait3A_55 = arith.constant 3 : i32
    %dma_wait3A_56 = arith.constant 0 : i32
    %dma_wait3A_57 = arith.constant 0 : i32
    %dma_wait3A_58 = tpu.memref_slice %arg9[%dma_wait3A_55, %dma_wait3A_56, %dma_wait3A_57] : memref<6x128x64xf32, #tpu.memory_space<vmem>> -> memref<1x128x64xf32, #tpu.memory_space<vmem>>
    %dma_wait3A_59 = tpu.memref_squeeze %dma_wait3A_58 : memref<1x128x64xf32, #tpu.memory_space<vmem>> -> memref<128x64xf32, #tpu.memory_space<vmem>>
    %dma_wait3A_60 = arith.constant 0 : i32
    %dma_wait3A_61 = arith.constant 0 : i32
    %dma_wait3A_62 = tpu.memref_slice %arg4[%dma_wait3A_60, %dma_wait3A_61] : memref<320000x64xf32, #tpu.memory_space<hbm>> -> memref<128x64xf32, #tpu.memory_space<hbm>>
    %dma_wait3A_63 = arith.constant 0 : i32
    %dma_wait3A_64 = arith.constant 0 : i32
    %dma_wait3A_65 = tpu.memref_slice %arg4[%dma_wait3A_63, %dma_wait3A_64] : memref<320000x64xf32, #tpu.memory_space<hbm>> -> memref<128x64xf32, #tpu.memory_space<hbm>>
    %dma_wait3A_66 = arith.constant 0 : i32
    %dma_wait3A_67 = arith.constant 0 : i32
    %dma_wait3A_68 = tpu.memref_slice %arg9[%dma_wait3A_55, %dma_wait3A_66, %dma_wait3A_67] : memref<6x128x64xf32, #tpu.memory_space<vmem>> -> memref<1x128x64xf32, #tpu.memory_space<vmem>>
    %dma_wait3A_69 = tpu.memref_squeeze %dma_wait3A_68 : memref<1x128x64xf32, #tpu.memory_space<vmem>> -> memref<128x64xf32, #tpu.memory_space<vmem>>
    tpu.wait_dma2 semaphore(%arg21 : memref<!tpu.dma_semaphore, #tpu.memory_space<semaphore_mem>>) src(%dma_wait3A_69 : memref<128x64xf32, #tpu.memory_space<vmem>>) dst(%dma_wait3A_65 : memref<128x64xf32, #tpu.memory_space<hbm>>)
    %dma_wait3A_70 = arith.constant 4 : i32
    %dma_wait3A_71 = arith.constant 0 : i32
    %dma_wait3A_72 = arith.constant 0 : i32
    %dma_wait3A_73 = tpu.memref_slice %arg9[%dma_wait3A_70, %dma_wait3A_71, %dma_wait3A_72] : memref<6x128x64xf32, #tpu.memory_space<vmem>> -> memref<1x128x64xf32, #tpu.memory_space<vmem>>
    %dma_wait3A_74 = tpu.memref_squeeze %dma_wait3A_73 : memref<1x128x64xf32, #tpu.memory_space<vmem>> -> memref<128x64xf32, #tpu.memory_space<vmem>>
    %dma_wait3A_75 = arith.constant 0 : i32
    %dma_wait3A_76 = arith.constant 0 : i32
    %dma_wait3A_77 = tpu.memref_slice %arg4[%dma_wait3A_75, %dma_wait3A_76] : memref<320000x64xf32, #tpu.memory_space<hbm>> -> memref<128x64xf32, #tpu.memory_space<hbm>>
    %dma_wait3A_78 = arith.constant 0 : i32
    %dma_wait3A_79 = arith.constant 0 : i32
    %dma_wait3A_80 = tpu.memref_slice %arg4[%dma_wait3A_78, %dma_wait3A_79] : memref<320000x64xf32, #tpu.memory_space<hbm>> -> memref<128x64xf32, #tpu.memory_space<hbm>>
    %dma_wait3A_81 = arith.constant 0 : i32
    %dma_wait3A_82 = arith.constant 0 : i32
    %dma_wait3A_83 = tpu.memref_slice %arg9[%dma_wait3A_70, %dma_wait3A_81, %dma_wait3A_82] : memref<6x128x64xf32, #tpu.memory_space<vmem>> -> memref<1x128x64xf32, #tpu.memory_space<vmem>>
    %dma_wait3A_84 = tpu.memref_squeeze %dma_wait3A_83 : memref<1x128x64xf32, #tpu.memory_space<vmem>> -> memref<128x64xf32, #tpu.memory_space<vmem>>
    tpu.wait_dma2 semaphore(%arg22 : memref<!tpu.dma_semaphore, #tpu.memory_space<semaphore_mem>>) src(%dma_wait3A_84 : memref<128x64xf32, #tpu.memory_space<vmem>>) dst(%dma_wait3A_80 : memref<128x64xf32, #tpu.memory_space<hbm>>)
    %dma_wait3A_85 = arith.constant 5 : i32
    %dma_wait3A_86 = arith.constant 0 : i32
    %dma_wait3A_87 = arith.constant 0 : i32
    %dma_wait3A_88 = tpu.memref_slice %arg9[%dma_wait3A_85, %dma_wait3A_86, %dma_wait3A_87] : memref<6x128x64xf32, #tpu.memory_space<vmem>> -> memref<1x128x64xf32, #tpu.memory_space<vmem>>
    %dma_wait3A_89 = tpu.memref_squeeze %dma_wait3A_88 : memref<1x128x64xf32, #tpu.memory_space<vmem>> -> memref<128x64xf32, #tpu.memory_space<vmem>>
    %dma_wait3A_90 = arith.constant 0 : i32
    %dma_wait3A_91 = arith.constant 0 : i32
    %dma_wait3A_92 = tpu.memref_slice %arg4[%dma_wait3A_90, %dma_wait3A_91] : memref<320000x64xf32, #tpu.memory_space<hbm>> -> memref<128x64xf32, #tpu.memory_space<hbm>>
    %dma_wait3A_93 = arith.constant 0 : i32
    %dma_wait3A_94 = arith.constant 0 : i32
    %dma_wait3A_95 = tpu.memref_slice %arg4[%dma_wait3A_93, %dma_wait3A_94] : memref<320000x64xf32, #tpu.memory_space<hbm>> -> memref<128x64xf32, #tpu.memory_space<hbm>>
    %dma_wait3A_96 = arith.constant 0 : i32
    %dma_wait3A_97 = arith.constant 0 : i32
    %dma_wait3A_98 = tpu.memref_slice %arg9[%dma_wait3A_85, %dma_wait3A_96, %dma_wait3A_97] : memref<6x128x64xf32, #tpu.memory_space<vmem>> -> memref<1x128x64xf32, #tpu.memory_space<vmem>>
    %dma_wait3A_99 = tpu.memref_squeeze %dma_wait3A_98 : memref<1x128x64xf32, #tpu.memory_space<vmem>> -> memref<128x64xf32, #tpu.memory_space<vmem>>
    tpu.wait_dma2 semaphore(%arg23 : memref<!tpu.dma_semaphore, #tpu.memory_space<semaphore_mem>>) src(%dma_wait3A_99 : memref<128x64xf32, #tpu.memory_space<vmem>>) dst(%dma_wait3A_95 : memref<128x64xf32, #tpu.memory_space<hbm>>)
    %get3A = arith.constant 9984 : index
    %get3A_100 = tpu.vector_load %arg7[%get3A] {strides = array<i32>} : memref<10000xi32, #tpu.memory_space<vmem>>, vector<16xi32>,
    %gather3A = tpu.vector_load_idx %arg6[%get3A_100] : memref<10000xi32, #tpu.memory_space<vmem>>[vector<16xi32>], vector<16xi32>,
    %swap3A = arith.constant 0 : index
    %swap3A_101 = tpu.vector_load %arg10[%swap3A] {strides = array<i32>} : memref<16xi32, #tpu.memory_space<vmem>>, vector<16xi32>,
    tpu.vector_store %arg10[%swap3A], %gather3A {strides = array<i32>} : memref<16xi32, #tpu.memory_space<vmem>>, vector<16xi32>,
    %dma_start3A = arith.constant 0 : i32
    %dma_start3A_102 = arith.constant 0 : i32
    %dma_start3A_103 = tpu.memref_slice %arg5[%dma_start3A, %dma_start3A_102] : memref<10000x64xf32, #tpu.memory_space<vmem_shared>> -> memref<10000x64xf32, #tpu.memory_space<vmem_shared>>
    tpu.enqueue_indirect_dma source(%dma_start3A_103 : memref<10000x64xf32, #tpu.memory_space<vmem_shared>>) target(%arg11 : memref<16x64xf32, #tpu.memory_space<vmem>>) offsets(%arg10 : memref<16xi32, #tpu.memory_space<vmem>>) semaphore(%arg24 : memref<!tpu.dma_semaphore, #tpu.memory_space<semaphore_mem>>)
    %dma_wait3A_104 = arith.constant 0 : i32
    %dma_wait3A_105 = arith.constant 0 : i32
    %dma_wait3A_106 = tpu.memref_slice %arg5[%dma_wait3A_104, %dma_wait3A_105] : memref<10000x64xf32, #tpu.memory_space<vmem_shared>> -> memref<10000x64xf32, #tpu.memory_space<vmem_shared>>
    tpu.wait_indirect_dma semaphore(%arg24 : memref<!tpu.dma_semaphore, #tpu.memory_space<semaphore_mem>>) src(%dma_wait3A_106 : memref<10000x64xf32, #tpu.memory_space<vmem_shared>>) dst(%arg11 : memref<16x64xf32, #tpu.memory_space<vmem>>)
    %add3A_107 = arith.constant 9984 : i32
    %add3A_108 = arith.addi %mul3A_2, %add3A_107 : i32
    "tpu.region"() ({
      %run_scoped3A_109 = tpu.sem_alloc : memref<!tpu.dma_semaphore, #tpu.memory_space<semaphore_mem>>
      %dma_start3A_110 = arith.constant 0 : i32
      %dma_start3A_111 = tpu.memref_slice %arg4[%add3A_108, %dma_start3A_110] : memref<320000x64xf32, #tpu.memory_space<hbm>> -> memref<16x64xf32, #tpu.memory_space<hbm>>
      %dma_start3A_112 = arith.constant 0 : i32
      %dma_start3A_113 = tpu.memref_slice %arg4[%add3A_108, %dma_start3A_112] : memref<320000x64xf32, #tpu.memory_space<hbm>> -> memref<16x64xf32, #tpu.memory_space<hbm>>
      tpu.enqueue_dma source(%arg11 : memref<16x64xf32, #tpu.memory_space<vmem>>) target(%dma_start3A_113 : memref<16x64xf32, #tpu.memory_space<hbm>>) target_semaphore(%run_scoped3A_109 : memref<!tpu.dma_semaphore, #tpu.memory_space<semaphore_mem>>)
      %dma_wait3A_114 = arith.constant 0 : i32
      %dma_wait3A_115 = tpu.memref_slice %arg4[%add3A_108, %dma_wait3A_114] : memref<320000x64xf32, #tpu.memory_space<hbm>> -> memref<16x64xf32, #tpu.memory_space<hbm>>
      %dma_wait3A_116 = arith.constant 0 : i32
      %dma_wait3A_117 = tpu.memref_slice %arg4[%add3A_108, %dma_wait3A_116] : memref<320000x64xf32, #tpu.memory_space<hbm>> -> memref<16x64xf32, #tpu.memory_space<hbm>>
      tpu.wait_dma2 semaphore(%run_scoped3A_109 : memref<!tpu.dma_semaphore, #tpu.memory_space<semaphore_mem>>) src(%arg11 : memref<16x64xf32, #tpu.memory_space<vmem>>) dst(%dma_wait3A_117 : memref<16x64xf32, #tpu.memory_space<hbm>>)
      tpu.yield
    }) : () -> ()
    return
  }
}

module attributes {stable_mosaic.version = 14 : i64} {
  func.func @_mlp_body(%arg0: i32, %arg1: memref<2000x128xf32, #tpu.memory_space<vmem>>, %arg2: memref<128x128xf32, #tpu.memory_space<vmem>>, %arg3: memref<1x128xf32, #tpu.memory_space<vmem>>, %arg4: memref<128x64xf32, #tpu.memory_space<vmem>>, %arg5: memref<1x64xf32, #tpu.memory_space<vmem>>, %arg6: memref<2000x64xf32, #tpu.memory_space<vmem>>) attributes {dimension_semantics = [#tpu.dimension_semantics<arbitrary>], iteration_bounds = array<i64: 5>, scalar_prefetch = 0 : i64, scratch_operands = 0 : i64, tpu.core_type = #tpu.core_type<tc>, window_params = [{transform_indices = @transform_0, window_bounds = array<i64: 2000, 128>}, {pipeline_mode = #tpu.pipeline_mode<synchronous>, transform_indices = @transform_1, window_bounds = array<i64: 128, 128>}, {pipeline_mode = #tpu.pipeline_mode<synchronous>, transform_indices = @transform_2, window_bounds = array<i64: 1, 128>}, {pipeline_mode = #tpu.pipeline_mode<synchronous>, transform_indices = @transform_3, window_bounds = array<i64: 128, 64>}, {pipeline_mode = #tpu.pipeline_mode<synchronous>, transform_indices = @transform_4, window_bounds = array<i64: 1, 64>}, {transform_indices = @transform_5, window_bounds = array<i64: 2000, 64>}]} {
    %get3A = arith.constant 0 : index
    %get3A_0 = arith.constant 0 : index
    %get3A_1 = vector.load %arg1[%get3A, %get3A_0] : memref<2000x128xf32, #tpu.memory_space<vmem>>, vector<2000x128xf32>
    %get3A_2 = arith.constant 0 : index
    %get3A_3 = arith.constant 0 : index
    %get3A_4 = vector.load %arg2[%get3A_2, %get3A_3] : memref<128x128xf32, #tpu.memory_space<vmem>>, vector<128x128xf32>
    %dot_general3A = arith.constant dense<0.000000e+00> : vector<2000x128xf32>
    %dot_general3A_5 = tpu.matmul %get3A_1, %get3A_4, %dot_general3A {dimension_numbers = #tpu.dot_dimension_numbers<[1], [0], [0], [1], [0, 0, 1, 1], [], []>, transpose_lhs_hint = false} : vector<2000x128xf32>, vector<128x128xf32>, vector<2000x128xf32> -> vector<2000x128xf32>
    %get3A_6 = arith.constant 0 : index
    %get3A_7 = arith.constant 0 : index
    %get3A_8 = vector.load %arg3[%get3A_6, %get3A_7] : memref<1x128xf32, #tpu.memory_space<vmem>>, vector<1x128xf32>
    %add3A = vector.broadcast %get3A_8 : vector<1x128xf32> to vector<2000x128xf32>
    %add3A_9 = arith.addf %dot_general3A_5, %add3A : vector<2000x128xf32>
    %max3A = arith.constant 0.000000e+00 : f32
    %max3A_10 = vector.broadcast %max3A : f32 to vector<2000x128xf32>
    %max3A_11 = arith.maximumf %add3A_9, %max3A_10 : vector<2000x128xf32>
    %get3A_12 = arith.constant 0 : index
    %get3A_13 = arith.constant 0 : index
    %get3A_14 = vector.load %arg4[%get3A_12, %get3A_13] : memref<128x64xf32, #tpu.memory_space<vmem>>, vector<128x64xf32>
    %dot_general3A_15 = arith.constant dense<0.000000e+00> : vector<2000x64xf32>
    %dot_general3A_16 = tpu.matmul %max3A_11, %get3A_14, %dot_general3A_15 {dimension_numbers = #tpu.dot_dimension_numbers<[1], [0], [0], [1], [0, 0, 1, 1], [], []>, transpose_lhs_hint = false} : vector<2000x128xf32>, vector<128x64xf32>, vector<2000x64xf32> -> vector<2000x64xf32>
    %get3A_17 = arith.constant 0 : index
    %get3A_18 = arith.constant 0 : index
    %get3A_19 = vector.load %arg5[%get3A_17, %get3A_18] : memref<1x64xf32, #tpu.memory_space<vmem>>, vector<1x64xf32>
    %add3A_20 = vector.broadcast %get3A_19 : vector<1x64xf32> to vector<2000x64xf32>
    %add3A_21 = arith.addf %dot_general3A_16, %add3A_20 : vector<2000x64xf32>
    %swap3A = arith.constant 0 : index
    %swap3A_22 = arith.constant 0 : index
    %swap3A_23 = vector.load %arg6[%swap3A, %swap3A_22] : memref<2000x64xf32, #tpu.memory_space<vmem>>, vector<2000x64xf32>
    tpu.vector_store %arg6[%swap3A, %swap3A_22], %add3A_21 {strides = array<i32>} : memref<2000x64xf32, #tpu.memory_space<vmem>>, vector<2000x64xf32>,
    return
  }
  func.func @transform_0(%arg0: i32) -> (i32, i32) {
    %c0_i32 = arith.constant 0 : i32
    %c0_i32_0 = arith.constant 0 : i32
    return %arg0, %c0_i32 : i32, i32
  }
  func.func @transform_1(%arg0: i32) -> (i32, i32) {
    %c0_i32 = arith.constant 0 : i32
    %c0_i32_0 = arith.constant 0 : i32
    %c0_i32_1 = arith.constant 0 : i32
    return %c0_i32, %c0_i32_0 : i32, i32
  }
  func.func @transform_2(%arg0: i32) -> (i32, i32) {
    %c0_i32 = arith.constant 0 : i32
    %c0_i32_0 = arith.constant 0 : i32
    %c0_i32_1 = arith.constant 0 : i32
    return %c0_i32, %c0_i32_0 : i32, i32
  }
  func.func @transform_3(%arg0: i32) -> (i32, i32) {
    %c0_i32 = arith.constant 0 : i32
    %c0_i32_0 = arith.constant 0 : i32
    %c0_i32_1 = arith.constant 0 : i32
    return %c0_i32, %c0_i32_0 : i32, i32
  }
  func.func @transform_4(%arg0: i32) -> (i32, i32) {
    %c0_i32 = arith.constant 0 : i32
    %c0_i32_0 = arith.constant 0 : i32
    %c0_i32_1 = arith.constant 0 : i32
    return %c0_i32, %c0_i32_0 : i32, i32
  }
  func.func @transform_5(%arg0: i32) -> (i32, i32) {
    %c0_i32 = arith.constant 0 : i32
    %c0_i32_0 = arith.constant 0 : i32
    return %arg0, %c0_i32 : i32, i32
  }
}

module attributes {stable_mosaic.version = 14 : i64} {
  func.func @_t_body(%arg0: i32, %arg1: memref<64x128xf32, #tpu.memory_space<vmem>>, %arg2: memref<64x128xf32, #tpu.memory_space<vmem>>, %arg3: memref<1280x128xf32, #tpu.memory_space<vmem>>, %arg4: memref<8x20x8x128xf32, #tpu.memory_space<vmem>>) attributes {dimension_semantics = [#tpu.dimension_semantics<arbitrary>], iteration_bounds = array<i64: 125>, scalar_prefetch = 0 : i64, scratch_operands = 0 : i64, tpu.core_type = #tpu.core_type<tc>, window_params = [{pipeline_mode = #tpu.pipeline_mode<synchronous>, transform_indices = @transform_0, window_bounds = array<i64: 64, 128>}, {pipeline_mode = #tpu.pipeline_mode<synchronous>, transform_indices = @transform_1, window_bounds = array<i64: 64, 128>}, {transform_indices = @transform_2, window_bounds = array<i64: 1280, 128>}, {transform_indices = @transform_3, window_bounds = array<i64: 8, 20, 8, 128>}]} {
    %get3A = arith.constant 0 : index
    %get3A_0 = arith.constant 0 : index
    %get3A_1 = vector.load %arg1[%get3A, %get3A_0] : memref<64x128xf32, #tpu.memory_space<vmem>>, vector<64x128xf32>
    %get3A_2 = arith.constant 0 : index
    %get3A_3 = arith.constant 0 : index
    %get3A_4 = vector.load %arg2[%get3A_2, %get3A_3] : memref<64x128xf32, #tpu.memory_space<vmem>>, vector<64x128xf32>
    %get3A_5 = arith.constant 0 : index
    %get3A_6 = arith.constant 0 : index
    %get3A_7 = vector.load %arg3[%get3A_5, %get3A_6] : memref<1280x128xf32, #tpu.memory_space<vmem>>, vector<1280x128xf32>
    %slice3A = vector.extract_strided_slice %get3A_7 {offsets = [0, 0], sizes = [64, 128], strides = [1, 1]} : vector<1280x128xf32> to vector<64x128xf32>
    %slice3A_8 = vector.extract_strided_slice %slice3A {offsets = [0, 0], sizes = [64, 64], strides = [1, 1]} : vector<64x128xf32> to vector<64x64xf32>
    %dot_general3A = arith.constant dense<0.000000e+00> : vector<64x128xf32>
    %dot_general3A_9 = tpu.matmul %slice3A_8, %get3A_1, %dot_general3A {dimension_numbers = #tpu.dot_dimension_numbers<[0], [0], [1], [1], [0, 1, 1, 1], [], []>, transpose_lhs_hint = false} : vector<64x64xf32>, vector<64x128xf32>, vector<64x128xf32> -> vector<64x128xf32>
    %slice3A_10 = vector.extract_strided_slice %slice3A {offsets = [0, 64], sizes = [64, 64], strides = [1, 1]} : vector<64x128xf32> to vector<64x64xf32>
    %dot_general3A_11 = arith.constant dense<0.000000e+00> : vector<64x128xf32>
    %dot_general3A_12 = tpu.matmul %slice3A_10, %get3A_4, %dot_general3A_11 {dimension_numbers = #tpu.dot_dimension_numbers<[0], [0], [1], [1], [0, 1, 1, 1], [], []>, transpose_lhs_hint = false} : vector<64x64xf32>, vector<64x128xf32>, vector<64x128xf32> -> vector<64x128xf32>
    %add3A = arith.addf %dot_general3A_9, %dot_general3A_12 : vector<64x128xf32>
    %reshape3A = vector.shape_cast %add3A : vector<64x128xf32> to vector<8x8x128xf32>
    %swap3A = arith.constant 0 : index
    %swap3A_13 = arith.constant 0 : index
    %swap3A_14 = arith.constant 0 : index
    %swap3A_15 = arith.constant 0 : index
    %swap3A_16 = vector.load %arg4[%swap3A, %swap3A_13, %swap3A_14, %swap3A_15] : memref<8x20x8x128xf32, #tpu.memory_space<vmem>>, vector<8x1x8x128xf32>
    %swap3A_17 = vector.shape_cast %swap3A_16 : vector<8x1x8x128xf32> to vector<8x8x128xf32>
    %swap3A_18 = vector.shape_cast %reshape3A : vector<8x8x128xf32> to vector<8x1x8x128xf32>
    tpu.vector_store %arg4[%swap3A, %swap3A_13, %swap3A_14, %swap3A_15], %swap3A_18 {strides = array<i32>} : memref<8x20x8x128xf32, #tpu.memory_space<vmem>>, vector<8x1x8x128xf32>,
    %slice3A_19 = vector.extract_strided_slice %get3A_7 {offsets = [64, 0], sizes = [64, 128], strides = [1, 1]} : vector<1280x128xf32> to vector<64x128xf32>
    %slice3A_20 = vector.extract_strided_slice %slice3A_19 {offsets = [0, 0], sizes = [64, 64], strides = [1, 1]} : vector<64x128xf32> to vector<64x64xf32>
    %dot_general3A_21 = arith.constant dense<0.000000e+00> : vector<64x128xf32>
    %dot_general3A_22 = tpu.matmul %slice3A_20, %get3A_1, %dot_general3A_21 {dimension_numbers = #tpu.dot_dimension_numbers<[0], [0], [1], [1], [0, 1, 1, 1], [], []>, transpose_lhs_hint = false} : vector<64x64xf32>, vector<64x128xf32>, vector<64x128xf32> -> vector<64x128xf32>
    %slice3A_23 = vector.extract_strided_slice %slice3A_19 {offsets = [0, 64], sizes = [64, 64], strides = [1, 1]} : vector<64x128xf32> to vector<64x64xf32>
    %dot_general3A_24 = arith.constant dense<0.000000e+00> : vector<64x128xf32>
    %dot_general3A_25 = tpu.matmul %slice3A_23, %get3A_4, %dot_general3A_24 {dimension_numbers = #tpu.dot_dimension_numbers<[0], [0], [1], [1], [0, 1, 1, 1], [], []>, transpose_lhs_hint = false} : vector<64x64xf32>, vector<64x128xf32>, vector<64x128xf32> -> vector<64x128xf32>
    %add3A_26 = arith.addf %dot_general3A_22, %dot_general3A_25 : vector<64x128xf32>
    %reshape3A_27 = vector.shape_cast %add3A_26 : vector<64x128xf32> to vector<8x8x128xf32>
    %swap3A_28 = arith.constant 0 : index
    %swap3A_29 = arith.constant 1 : index
    %swap3A_30 = arith.constant 0 : index
    %swap3A_31 = arith.constant 0 : index
    %swap3A_32 = vector.load %arg4[%swap3A_28, %swap3A_29, %swap3A_30, %swap3A_31] : memref<8x20x8x128xf32, #tpu.memory_space<vmem>>, vector<8x1x8x128xf32>
    %swap3A_33 = vector.shape_cast %swap3A_32 : vector<8x1x8x128xf32> to vector<8x8x128xf32>
    %swap3A_34 = vector.shape_cast %reshape3A_27 : vector<8x8x128xf32> to vector<8x1x8x128xf32>
    tpu.vector_store %arg4[%swap3A_28, %swap3A_29, %swap3A_30, %swap3A_31], %swap3A_34 {strides = array<i32>} : memref<8x20x8x128xf32, #tpu.memory_space<vmem>>, vector<8x1x8x128xf32>,
    %slice3A_35 = vector.extract_strided_slice %get3A_7 {offsets = [128, 0], sizes = [64, 128], strides = [1, 1]} : vector<1280x128xf32> to vector<64x128xf32>
    %slice3A_36 = vector.extract_strided_slice %slice3A_35 {offsets = [0, 0], sizes = [64, 64], strides = [1, 1]} : vector<64x128xf32> to vector<64x64xf32>
    %dot_general3A_37 = arith.constant dense<0.000000e+00> : vector<64x128xf32>
    %dot_general3A_38 = tpu.matmul %slice3A_36, %get3A_1, %dot_general3A_37 {dimension_numbers = #tpu.dot_dimension_numbers<[0], [0], [1], [1], [0, 1, 1, 1], [], []>, transpose_lhs_hint = false} : vector<64x64xf32>, vector<64x128xf32>, vector<64x128xf32> -> vector<64x128xf32>
    %slice3A_39 = vector.extract_strided_slice %slice3A_35 {offsets = [0, 64], sizes = [64, 64], strides = [1, 1]} : vector<64x128xf32> to vector<64x64xf32>
    %dot_general3A_40 = arith.constant dense<0.000000e+00> : vector<64x128xf32>
    %dot_general3A_41 = tpu.matmul %slice3A_39, %get3A_4, %dot_general3A_40 {dimension_numbers = #tpu.dot_dimension_numbers<[0], [0], [1], [1], [0, 1, 1, 1], [], []>, transpose_lhs_hint = false} : vector<64x64xf32>, vector<64x128xf32>, vector<64x128xf32> -> vector<64x128xf32>
    %add3A_42 = arith.addf %dot_general3A_38, %dot_general3A_41 : vector<64x128xf32>
    %reshape3A_43 = vector.shape_cast %add3A_42 : vector<64x128xf32> to vector<8x8x128xf32>
    %swap3A_44 = arith.constant 0 : index
    %swap3A_45 = arith.constant 2 : index
    %swap3A_46 = arith.constant 0 : index
    %swap3A_47 = arith.constant 0 : index
    %swap3A_48 = vector.load %arg4[%swap3A_44, %swap3A_45, %swap3A_46, %swap3A_47] : memref<8x20x8x128xf32, #tpu.memory_space<vmem>>, vector<8x1x8x128xf32>
    %swap3A_49 = vector.shape_cast %swap3A_48 : vector<8x1x8x128xf32> to vector<8x8x128xf32>
    %swap3A_50 = vector.shape_cast %reshape3A_43 : vector<8x8x128xf32> to vector<8x1x8x128xf32>
    tpu.vector_store %arg4[%swap3A_44, %swap3A_45, %swap3A_46, %swap3A_47], %swap3A_50 {strides = array<i32>} : memref<8x20x8x128xf32, #tpu.memory_space<vmem>>, vector<8x1x8x128xf32>,
    %slice3A_51 = vector.extract_strided_slice %get3A_7 {offsets = [192, 0], sizes = [64, 128], strides = [1, 1]} : vector<1280x128xf32> to vector<64x128xf32>
    %slice3A_52 = vector.extract_strided_slice %slice3A_51 {offsets = [0, 0], sizes = [64, 64], strides = [1, 1]} : vector<64x128xf32> to vector<64x64xf32>
    %dot_general3A_53 = arith.constant dense<0.000000e+00> : vector<64x128xf32>
    %dot_general3A_54 = tpu.matmul %slice3A_52, %get3A_1, %dot_general3A_53 {dimension_numbers = #tpu.dot_dimension_numbers<[0], [0], [1], [1], [0, 1, 1, 1], [], []>, transpose_lhs_hint = false} : vector<64x64xf32>, vector<64x128xf32>, vector<64x128xf32> -> vector<64x128xf32>
    %slice3A_55 = vector.extract_strided_slice %slice3A_51 {offsets = [0, 64], sizes = [64, 64], strides = [1, 1]} : vector<64x128xf32> to vector<64x64xf32>
    %dot_general3A_56 = arith.constant dense<0.000000e+00> : vector<64x128xf32>
    %dot_general3A_57 = tpu.matmul %slice3A_55, %get3A_4, %dot_general3A_56 {dimension_numbers = #tpu.dot_dimension_numbers<[0], [0], [1], [1], [0, 1, 1, 1], [], []>, transpose_lhs_hint = false} : vector<64x64xf32>, vector<64x128xf32>, vector<64x128xf32> -> vector<64x128xf32>
    %add3A_58 = arith.addf %dot_general3A_54, %dot_general3A_57 : vector<64x128xf32>
    %reshape3A_59 = vector.shape_cast %add3A_58 : vector<64x128xf32> to vector<8x8x128xf32>
    %swap3A_60 = arith.constant 0 : index
    %swap3A_61 = arith.constant 3 : index
    %swap3A_62 = arith.constant 0 : index
    %swap3A_63 = arith.constant 0 : index
    %swap3A_64 = vector.load %arg4[%swap3A_60, %swap3A_61, %swap3A_62, %swap3A_63] : memref<8x20x8x128xf32, #tpu.memory_space<vmem>>, vector<8x1x8x128xf32>
    %swap3A_65 = vector.shape_cast %swap3A_64 : vector<8x1x8x128xf32> to vector<8x8x128xf32>
    %swap3A_66 = vector.shape_cast %reshape3A_59 : vector<8x8x128xf32> to vector<8x1x8x128xf32>
    tpu.vector_store %arg4[%swap3A_60, %swap3A_61, %swap3A_62, %swap3A_63], %swap3A_66 {strides = array<i32>} : memref<8x20x8x128xf32, #tpu.memory_space<vmem>>, vector<8x1x8x128xf32>,
    %slice3A_67 = vector.extract_strided_slice %get3A_7 {offsets = [256, 0], sizes = [64, 128], strides = [1, 1]} : vector<1280x128xf32> to vector<64x128xf32>
    %slice3A_68 = vector.extract_strided_slice %slice3A_67 {offsets = [0, 0], sizes = [64, 64], strides = [1, 1]} : vector<64x128xf32> to vector<64x64xf32>
    %dot_general3A_69 = arith.constant dense<0.000000e+00> : vector<64x128xf32>
    %dot_general3A_70 = tpu.matmul %slice3A_68, %get3A_1, %dot_general3A_69 {dimension_numbers = #tpu.dot_dimension_numbers<[0], [0], [1], [1], [0, 1, 1, 1], [], []>, transpose_lhs_hint = false} : vector<64x64xf32>, vector<64x128xf32>, vector<64x128xf32> -> vector<64x128xf32>
    %slice3A_71 = vector.extract_strided_slice %slice3A_67 {offsets = [0, 64], sizes = [64, 64], strides = [1, 1]} : vector<64x128xf32> to vector<64x64xf32>
    %dot_general3A_72 = arith.constant dense<0.000000e+00> : vector<64x128xf32>
    %dot_general3A_73 = tpu.matmul %slice3A_71, %get3A_4, %dot_general3A_72 {dimension_numbers = #tpu.dot_dimension_numbers<[0], [0], [1], [1], [0, 1, 1, 1], [], []>, transpose_lhs_hint = false} : vector<64x64xf32>, vector<64x128xf32>, vector<64x128xf32> -> vector<64x128xf32>
    %add3A_74 = arith.addf %dot_general3A_70, %dot_general3A_73 : vector<64x128xf32>
    %reshape3A_75 = vector.shape_cast %add3A_74 : vector<64x128xf32> to vector<8x8x128xf32>
    %swap3A_76 = arith.constant 0 : index
    %swap3A_77 = arith.constant 4 : index
    %swap3A_78 = arith.constant 0 : index
    %swap3A_79 = arith.constant 0 : index
    %swap3A_80 = vector.load %arg4[%swap3A_76, %swap3A_77, %swap3A_78, %swap3A_79] : memref<8x20x8x128xf32, #tpu.memory_space<vmem>>, vector<8x1x8x128xf32>
    %swap3A_81 = vector.shape_cast %swap3A_80 : vector<8x1x8x128xf32> to vector<8x8x128xf32>
    %swap3A_82 = vector.shape_cast %reshape3A_75 : vector<8x8x128xf32> to vector<8x1x8x128xf32>
    tpu.vector_store %arg4[%swap3A_76, %swap3A_77, %swap3A_78, %swap3A_79], %swap3A_82 {strides = array<i32>} : memref<8x20x8x128xf32, #tpu.memory_space<vmem>>, vector<8x1x8x128xf32>,
    %slice3A_83 = vector.extract_strided_slice %get3A_7 {offsets = [320, 0], sizes = [64, 128], strides = [1, 1]} : vector<1280x128xf32> to vector<64x128xf32>
    %slice3A_84 = vector.extract_strided_slice %slice3A_83 {offsets = [0, 0], sizes = [64, 64], strides = [1, 1]} : vector<64x128xf32> to vector<64x64xf32>
    %dot_general3A_85 = arith.constant dense<0.000000e+00> : vector<64x128xf32>
    %dot_general3A_86 = tpu.matmul %slice3A_84, %get3A_1, %dot_general3A_85 {dimension_numbers = #tpu.dot_dimension_numbers<[0], [0], [1], [1], [0, 1, 1, 1], [], []>, transpose_lhs_hint = false} : vector<64x64xf32>, vector<64x128xf32>, vector<64x128xf32> -> vector<64x128xf32>
    %slice3A_87 = vector.extract_strided_slice %slice3A_83 {offsets = [0, 64], sizes = [64, 64], strides = [1, 1]} : vector<64x128xf32> to vector<64x64xf32>
    %dot_general3A_88 = arith.constant dense<0.000000e+00> : vector<64x128xf32>
    %dot_general3A_89 = tpu.matmul %slice3A_87, %get3A_4, %dot_general3A_88 {dimension_numbers = #tpu.dot_dimension_numbers<[0], [0], [1], [1], [0, 1, 1, 1], [], []>, transpose_lhs_hint = false} : vector<64x64xf32>, vector<64x128xf32>, vector<64x128xf32> -> vector<64x128xf32>
    %add3A_90 = arith.addf %dot_general3A_86, %dot_general3A_89 : vector<64x128xf32>
    %reshape3A_91 = vector.shape_cast %add3A_90 : vector<64x128xf32> to vector<8x8x128xf32>
    %swap3A_92 = arith.constant 0 : index
    %swap3A_93 = arith.constant 5 : index
    %swap3A_94 = arith.constant 0 : index
    %swap3A_95 = arith.constant 0 : index
    %swap3A_96 = vector.load %arg4[%swap3A_92, %swap3A_93, %swap3A_94, %swap3A_95] : memref<8x20x8x128xf32, #tpu.memory_space<vmem>>, vector<8x1x8x128xf32>
    %swap3A_97 = vector.shape_cast %swap3A_96 : vector<8x1x8x128xf32> to vector<8x8x128xf32>
    %swap3A_98 = vector.shape_cast %reshape3A_91 : vector<8x8x128xf32> to vector<8x1x8x128xf32>
    tpu.vector_store %arg4[%swap3A_92, %swap3A_93, %swap3A_94, %swap3A_95], %swap3A_98 {strides = array<i32>} : memref<8x20x8x128xf32, #tpu.memory_space<vmem>>, vector<8x1x8x128xf32>,
    %slice3A_99 = vector.extract_strided_slice %get3A_7 {offsets = [384, 0], sizes = [64, 128], strides = [1, 1]} : vector<1280x128xf32> to vector<64x128xf32>
    %slice3A_100 = vector.extract_strided_slice %slice3A_99 {offsets = [0, 0], sizes = [64, 64], strides = [1, 1]} : vector<64x128xf32> to vector<64x64xf32>
    %dot_general3A_101 = arith.constant dense<0.000000e+00> : vector<64x128xf32>
    %dot_general3A_102 = tpu.matmul %slice3A_100, %get3A_1, %dot_general3A_101 {dimension_numbers = #tpu.dot_dimension_numbers<[0], [0], [1], [1], [0, 1, 1, 1], [], []>, transpose_lhs_hint = false} : vector<64x64xf32>, vector<64x128xf32>, vector<64x128xf32> -> vector<64x128xf32>
    %slice3A_103 = vector.extract_strided_slice %slice3A_99 {offsets = [0, 64], sizes = [64, 64], strides = [1, 1]} : vector<64x128xf32> to vector<64x64xf32>
    %dot_general3A_104 = arith.constant dense<0.000000e+00> : vector<64x128xf32>
    %dot_general3A_105 = tpu.matmul %slice3A_103, %get3A_4, %dot_general3A_104 {dimension_numbers = #tpu.dot_dimension_numbers<[0], [0], [1], [1], [0, 1, 1, 1], [], []>, transpose_lhs_hint = false} : vector<64x64xf32>, vector<64x128xf32>, vector<64x128xf32> -> vector<64x128xf32>
    %add3A_106 = arith.addf %dot_general3A_102, %dot_general3A_105 : vector<64x128xf32>
    %reshape3A_107 = vector.shape_cast %add3A_106 : vector<64x128xf32> to vector<8x8x128xf32>
    %swap3A_108 = arith.constant 0 : index
    %swap3A_109 = arith.constant 6 : index
    %swap3A_110 = arith.constant 0 : index
    %swap3A_111 = arith.constant 0 : index
    %swap3A_112 = vector.load %arg4[%swap3A_108, %swap3A_109, %swap3A_110, %swap3A_111] : memref<8x20x8x128xf32, #tpu.memory_space<vmem>>, vector<8x1x8x128xf32>
    %swap3A_113 = vector.shape_cast %swap3A_112 : vector<8x1x8x128xf32> to vector<8x8x128xf32>
    %swap3A_114 = vector.shape_cast %reshape3A_107 : vector<8x8x128xf32> to vector<8x1x8x128xf32>
    tpu.vector_store %arg4[%swap3A_108, %swap3A_109, %swap3A_110, %swap3A_111], %swap3A_114 {strides = array<i32>} : memref<8x20x8x128xf32, #tpu.memory_space<vmem>>, vector<8x1x8x128xf32>,
    %slice3A_115 = vector.extract_strided_slice %get3A_7 {offsets = [448, 0], sizes = [64, 128], strides = [1, 1]} : vector<1280x128xf32> to vector<64x128xf32>
    %slice3A_116 = vector.extract_strided_slice %slice3A_115 {offsets = [0, 0], sizes = [64, 64], strides = [1, 1]} : vector<64x128xf32> to vector<64x64xf32>
    %dot_general3A_117 = arith.constant dense<0.000000e+00> : vector<64x128xf32>
    %dot_general3A_118 = tpu.matmul %slice3A_116, %get3A_1, %dot_general3A_117 {dimension_numbers = #tpu.dot_dimension_numbers<[0], [0], [1], [1], [0, 1, 1, 1], [], []>, transpose_lhs_hint = false} : vector<64x64xf32>, vector<64x128xf32>, vector<64x128xf32> -> vector<64x128xf32>
    %slice3A_119 = vector.extract_strided_slice %slice3A_115 {offsets = [0, 64], sizes = [64, 64], strides = [1, 1]} : vector<64x128xf32> to vector<64x64xf32>
    %dot_general3A_120 = arith.constant dense<0.000000e+00> : vector<64x128xf32>
    %dot_general3A_121 = tpu.matmul %slice3A_119, %get3A_4, %dot_general3A_120 {dimension_numbers = #tpu.dot_dimension_numbers<[0], [0], [1], [1], [0, 1, 1, 1], [], []>, transpose_lhs_hint = false} : vector<64x64xf32>, vector<64x128xf32>, vector<64x128xf32> -> vector<64x128xf32>
    %add3A_122 = arith.addf %dot_general3A_118, %dot_general3A_121 : vector<64x128xf32>
    %reshape3A_123 = vector.shape_cast %add3A_122 : vector<64x128xf32> to vector<8x8x128xf32>
    %swap3A_124 = arith.constant 0 : index
    %swap3A_125 = arith.constant 7 : index
    %swap3A_126 = arith.constant 0 : index
    %swap3A_127 = arith.constant 0 : index
    %swap3A_128 = vector.load %arg4[%swap3A_124, %swap3A_125, %swap3A_126, %swap3A_127] : memref<8x20x8x128xf32, #tpu.memory_space<vmem>>, vector<8x1x8x128xf32>
    %swap3A_129 = vector.shape_cast %swap3A_128 : vector<8x1x8x128xf32> to vector<8x8x128xf32>
    %swap3A_130 = vector.shape_cast %reshape3A_123 : vector<8x8x128xf32> to vector<8x1x8x128xf32>
    tpu.vector_store %arg4[%swap3A_124, %swap3A_125, %swap3A_126, %swap3A_127], %swap3A_130 {strides = array<i32>} : memref<8x20x8x128xf32, #tpu.memory_space<vmem>>, vector<8x1x8x128xf32>,
    %slice3A_131 = vector.extract_strided_slice %get3A_7 {offsets = [512, 0], sizes = [64, 128], strides = [1, 1]} : vector<1280x128xf32> to vector<64x128xf32>
    %slice3A_132 = vector.extract_strided_slice %slice3A_131 {offsets = [0, 0], sizes = [64, 64], strides = [1, 1]} : vector<64x128xf32> to vector<64x64xf32>
    %dot_general3A_133 = arith.constant dense<0.000000e+00> : vector<64x128xf32>
    %dot_general3A_134 = tpu.matmul %slice3A_132, %get3A_1, %dot_general3A_133 {dimension_numbers = #tpu.dot_dimension_numbers<[0], [0], [1], [1], [0, 1, 1, 1], [], []>, transpose_lhs_hint = false} : vector<64x64xf32>, vector<64x128xf32>, vector<64x128xf32> -> vector<64x128xf32>
    %slice3A_135 = vector.extract_strided_slice %slice3A_131 {offsets = [0, 64], sizes = [64, 64], strides = [1, 1]} : vector<64x128xf32> to vector<64x64xf32>
    %dot_general3A_136 = arith.constant dense<0.000000e+00> : vector<64x128xf32>
    %dot_general3A_137 = tpu.matmul %slice3A_135, %get3A_4, %dot_general3A_136 {dimension_numbers = #tpu.dot_dimension_numbers<[0], [0], [1], [1], [0, 1, 1, 1], [], []>, transpose_lhs_hint = false} : vector<64x64xf32>, vector<64x128xf32>, vector<64x128xf32> -> vector<64x128xf32>
    %add3A_138 = arith.addf %dot_general3A_134, %dot_general3A_137 : vector<64x128xf32>
    %reshape3A_139 = vector.shape_cast %add3A_138 : vector<64x128xf32> to vector<8x8x128xf32>
    %swap3A_140 = arith.constant 0 : index
    %swap3A_141 = arith.constant 8 : index
    %swap3A_142 = arith.constant 0 : index
    %swap3A_143 = arith.constant 0 : index
    %swap3A_144 = vector.load %arg4[%swap3A_140, %swap3A_141, %swap3A_142, %swap3A_143] : memref<8x20x8x128xf32, #tpu.memory_space<vmem>>, vector<8x1x8x128xf32>
    %swap3A_145 = vector.shape_cast %swap3A_144 : vector<8x1x8x128xf32> to vector<8x8x128xf32>
    %swap3A_146 = vector.shape_cast %reshape3A_139 : vector<8x8x128xf32> to vector<8x1x8x128xf32>
    tpu.vector_store %arg4[%swap3A_140, %swap3A_141, %swap3A_142, %swap3A_143], %swap3A_146 {strides = array<i32>} : memref<8x20x8x128xf32, #tpu.memory_space<vmem>>, vector<8x1x8x128xf32>,
    %slice3A_147 = vector.extract_strided_slice %get3A_7 {offsets = [576, 0], sizes = [64, 128], strides = [1, 1]} : vector<1280x128xf32> to vector<64x128xf32>
    %slice3A_148 = vector.extract_strided_slice %slice3A_147 {offsets = [0, 0], sizes = [64, 64], strides = [1, 1]} : vector<64x128xf32> to vector<64x64xf32>
    %dot_general3A_149 = arith.constant dense<0.000000e+00> : vector<64x128xf32>
    %dot_general3A_150 = tpu.matmul %slice3A_148, %get3A_1, %dot_general3A_149 {dimension_numbers = #tpu.dot_dimension_numbers<[0], [0], [1], [1], [0, 1, 1, 1], [], []>, transpose_lhs_hint = false} : vector<64x64xf32>, vector<64x128xf32>, vector<64x128xf32> -> vector<64x128xf32>
    %slice3A_151 = vector.extract_strided_slice %slice3A_147 {offsets = [0, 64], sizes = [64, 64], strides = [1, 1]} : vector<64x128xf32> to vector<64x64xf32>
    %dot_general3A_152 = arith.constant dense<0.000000e+00> : vector<64x128xf32>
    %dot_general3A_153 = tpu.matmul %slice3A_151, %get3A_4, %dot_general3A_152 {dimension_numbers = #tpu.dot_dimension_numbers<[0], [0], [1], [1], [0, 1, 1, 1], [], []>, transpose_lhs_hint = false} : vector<64x64xf32>, vector<64x128xf32>, vector<64x128xf32> -> vector<64x128xf32>
    %add3A_154 = arith.addf %dot_general3A_150, %dot_general3A_153 : vector<64x128xf32>
    %reshape3A_155 = vector.shape_cast %add3A_154 : vector<64x128xf32> to vector<8x8x128xf32>
    %swap3A_156 = arith.constant 0 : index
    %swap3A_157 = arith.constant 9 : index
    %swap3A_158 = arith.constant 0 : index
    %swap3A_159 = arith.constant 0 : index
    %swap3A_160 = vector.load %arg4[%swap3A_156, %swap3A_157, %swap3A_158, %swap3A_159] : memref<8x20x8x128xf32, #tpu.memory_space<vmem>>, vector<8x1x8x128xf32>
    %swap3A_161 = vector.shape_cast %swap3A_160 : vector<8x1x8x128xf32> to vector<8x8x128xf32>
    %swap3A_162 = vector.shape_cast %reshape3A_155 : vector<8x8x128xf32> to vector<8x1x8x128xf32>
    tpu.vector_store %arg4[%swap3A_156, %swap3A_157, %swap3A_158, %swap3A_159], %swap3A_162 {strides = array<i32>} : memref<8x20x8x128xf32, #tpu.memory_space<vmem>>, vector<8x1x8x128xf32>,
    %slice3A_163 = vector.extract_strided_slice %get3A_7 {offsets = [640, 0], sizes = [64, 128], strides = [1, 1]} : vector<1280x128xf32> to vector<64x128xf32>
    %slice3A_164 = vector.extract_strided_slice %slice3A_163 {offsets = [0, 0], sizes = [64, 64], strides = [1, 1]} : vector<64x128xf32> to vector<64x64xf32>
    %dot_general3A_165 = arith.constant dense<0.000000e+00> : vector<64x128xf32>
    %dot_general3A_166 = tpu.matmul %slice3A_164, %get3A_1, %dot_general3A_165 {dimension_numbers = #tpu.dot_dimension_numbers<[0], [0], [1], [1], [0, 1, 1, 1], [], []>, transpose_lhs_hint = false} : vector<64x64xf32>, vector<64x128xf32>, vector<64x128xf32> -> vector<64x128xf32>
    %slice3A_167 = vector.extract_strided_slice %slice3A_163 {offsets = [0, 64], sizes = [64, 64], strides = [1, 1]} : vector<64x128xf32> to vector<64x64xf32>
    %dot_general3A_168 = arith.constant dense<0.000000e+00> : vector<64x128xf32>
    %dot_general3A_169 = tpu.matmul %slice3A_167, %get3A_4, %dot_general3A_168 {dimension_numbers = #tpu.dot_dimension_numbers<[0], [0], [1], [1], [0, 1, 1, 1], [], []>, transpose_lhs_hint = false} : vector<64x64xf32>, vector<64x128xf32>, vector<64x128xf32> -> vector<64x128xf32>
    %add3A_170 = arith.addf %dot_general3A_166, %dot_general3A_169 : vector<64x128xf32>
    %reshape3A_171 = vector.shape_cast %add3A_170 : vector<64x128xf32> to vector<8x8x128xf32>
    %swap3A_172 = arith.constant 0 : index
    %swap3A_173 = arith.constant 10 : index
    %swap3A_174 = arith.constant 0 : index
    %swap3A_175 = arith.constant 0 : index
    %swap3A_176 = vector.load %arg4[%swap3A_172, %swap3A_173, %swap3A_174, %swap3A_175] : memref<8x20x8x128xf32, #tpu.memory_space<vmem>>, vector<8x1x8x128xf32>
    %swap3A_177 = vector.shape_cast %swap3A_176 : vector<8x1x8x128xf32> to vector<8x8x128xf32>
    %swap3A_178 = vector.shape_cast %reshape3A_171 : vector<8x8x128xf32> to vector<8x1x8x128xf32>
    tpu.vector_store %arg4[%swap3A_172, %swap3A_173, %swap3A_174, %swap3A_175], %swap3A_178 {strides = array<i32>} : memref<8x20x8x128xf32, #tpu.memory_space<vmem>>, vector<8x1x8x128xf32>,
    %slice3A_179 = vector.extract_strided_slice %get3A_7 {offsets = [704, 0], sizes = [64, 128], strides = [1, 1]} : vector<1280x128xf32> to vector<64x128xf32>
    %slice3A_180 = vector.extract_strided_slice %slice3A_179 {offsets = [0, 0], sizes = [64, 64], strides = [1, 1]} : vector<64x128xf32> to vector<64x64xf32>
    %dot_general3A_181 = arith.constant dense<0.000000e+00> : vector<64x128xf32>
    %dot_general3A_182 = tpu.matmul %slice3A_180, %get3A_1, %dot_general3A_181 {dimension_numbers = #tpu.dot_dimension_numbers<[0], [0], [1], [1], [0, 1, 1, 1], [], []>, transpose_lhs_hint = false} : vector<64x64xf32>, vector<64x128xf32>, vector<64x128xf32> -> vector<64x128xf32>
    %slice3A_183 = vector.extract_strided_slice %slice3A_179 {offsets = [0, 64], sizes = [64, 64], strides = [1, 1]} : vector<64x128xf32> to vector<64x64xf32>
    %dot_general3A_184 = arith.constant dense<0.000000e+00> : vector<64x128xf32>
    %dot_general3A_185 = tpu.matmul %slice3A_183, %get3A_4, %dot_general3A_184 {dimension_numbers = #tpu.dot_dimension_numbers<[0], [0], [1], [1], [0, 1, 1, 1], [], []>, transpose_lhs_hint = false} : vector<64x64xf32>, vector<64x128xf32>, vector<64x128xf32> -> vector<64x128xf32>
    %add3A_186 = arith.addf %dot_general3A_182, %dot_general3A_185 : vector<64x128xf32>
    %reshape3A_187 = vector.shape_cast %add3A_186 : vector<64x128xf32> to vector<8x8x128xf32>
    %swap3A_188 = arith.constant 0 : index
    %swap3A_189 = arith.constant 11 : index
    %swap3A_190 = arith.constant 0 : index
    %swap3A_191 = arith.constant 0 : index
    %swap3A_192 = vector.load %arg4[%swap3A_188, %swap3A_189, %swap3A_190, %swap3A_191] : memref<8x20x8x128xf32, #tpu.memory_space<vmem>>, vector<8x1x8x128xf32>
    %swap3A_193 = vector.shape_cast %swap3A_192 : vector<8x1x8x128xf32> to vector<8x8x128xf32>
    %swap3A_194 = vector.shape_cast %reshape3A_187 : vector<8x8x128xf32> to vector<8x1x8x128xf32>
    tpu.vector_store %arg4[%swap3A_188, %swap3A_189, %swap3A_190, %swap3A_191], %swap3A_194 {strides = array<i32>} : memref<8x20x8x128xf32, #tpu.memory_space<vmem>>, vector<8x1x8x128xf32>,
    %slice3A_195 = vector.extract_strided_slice %get3A_7 {offsets = [768, 0], sizes = [64, 128], strides = [1, 1]} : vector<1280x128xf32> to vector<64x128xf32>
    %slice3A_196 = vector.extract_strided_slice %slice3A_195 {offsets = [0, 0], sizes = [64, 64], strides = [1, 1]} : vector<64x128xf32> to vector<64x64xf32>
    %dot_general3A_197 = arith.constant dense<0.000000e+00> : vector<64x128xf32>
    %dot_general3A_198 = tpu.matmul %slice3A_196, %get3A_1, %dot_general3A_197 {dimension_numbers = #tpu.dot_dimension_numbers<[0], [0], [1], [1], [0, 1, 1, 1], [], []>, transpose_lhs_hint = false} : vector<64x64xf32>, vector<64x128xf32>, vector<64x128xf32> -> vector<64x128xf32>
    %slice3A_199 = vector.extract_strided_slice %slice3A_195 {offsets = [0, 64], sizes = [64, 64], strides = [1, 1]} : vector<64x128xf32> to vector<64x64xf32>
    %dot_general3A_200 = arith.constant dense<0.000000e+00> : vector<64x128xf32>
    %dot_general3A_201 = tpu.matmul %slice3A_199, %get3A_4, %dot_general3A_200 {dimension_numbers = #tpu.dot_dimension_numbers<[0], [0], [1], [1], [0, 1, 1, 1], [], []>, transpose_lhs_hint = false} : vector<64x64xf32>, vector<64x128xf32>, vector<64x128xf32> -> vector<64x128xf32>
    %add3A_202 = arith.addf %dot_general3A_198, %dot_general3A_201 : vector<64x128xf32>
    %reshape3A_203 = vector.shape_cast %add3A_202 : vector<64x128xf32> to vector<8x8x128xf32>
    %swap3A_204 = arith.constant 0 : index
    %swap3A_205 = arith.constant 12 : index
    %swap3A_206 = arith.constant 0 : index
    %swap3A_207 = arith.constant 0 : index
    %swap3A_208 = vector.load %arg4[%swap3A_204, %swap3A_205, %swap3A_206, %swap3A_207] : memref<8x20x8x128xf32, #tpu.memory_space<vmem>>, vector<8x1x8x128xf32>
    %swap3A_209 = vector.shape_cast %swap3A_208 : vector<8x1x8x128xf32> to vector<8x8x128xf32>
    %swap3A_210 = vector.shape_cast %reshape3A_203 : vector<8x8x128xf32> to vector<8x1x8x128xf32>
    tpu.vector_store %arg4[%swap3A_204, %swap3A_205, %swap3A_206, %swap3A_207], %swap3A_210 {strides = array<i32>} : memref<8x20x8x128xf32, #tpu.memory_space<vmem>>, vector<8x1x8x128xf32>,
    %slice3A_211 = vector.extract_strided_slice %get3A_7 {offsets = [832, 0], sizes = [64, 128], strides = [1, 1]} : vector<1280x128xf32> to vector<64x128xf32>
    %slice3A_212 = vector.extract_strided_slice %slice3A_211 {offsets = [0, 0], sizes = [64, 64], strides = [1, 1]} : vector<64x128xf32> to vector<64x64xf32>
    %dot_general3A_213 = arith.constant dense<0.000000e+00> : vector<64x128xf32>
    %dot_general3A_214 = tpu.matmul %slice3A_212, %get3A_1, %dot_general3A_213 {dimension_numbers = #tpu.dot_dimension_numbers<[0], [0], [1], [1], [0, 1, 1, 1], [], []>, transpose_lhs_hint = false} : vector<64x64xf32>, vector<64x128xf32>, vector<64x128xf32> -> vector<64x128xf32>
    %slice3A_215 = vector.extract_strided_slice %slice3A_211 {offsets = [0, 64], sizes = [64, 64], strides = [1, 1]} : vector<64x128xf32> to vector<64x64xf32>
    %dot_general3A_216 = arith.constant dense<0.000000e+00> : vector<64x128xf32>
    %dot_general3A_217 = tpu.matmul %slice3A_215, %get3A_4, %dot_general3A_216 {dimension_numbers = #tpu.dot_dimension_numbers<[0], [0], [1], [1], [0, 1, 1, 1], [], []>, transpose_lhs_hint = false} : vector<64x64xf32>, vector<64x128xf32>, vector<64x128xf32> -> vector<64x128xf32>
    %add3A_218 = arith.addf %dot_general3A_214, %dot_general3A_217 : vector<64x128xf32>
    %reshape3A_219 = vector.shape_cast %add3A_218 : vector<64x128xf32> to vector<8x8x128xf32>
    %swap3A_220 = arith.constant 0 : index
    %swap3A_221 = arith.constant 13 : index
    %swap3A_222 = arith.constant 0 : index
    %swap3A_223 = arith.constant 0 : index
    %swap3A_224 = vector.load %arg4[%swap3A_220, %swap3A_221, %swap3A_222, %swap3A_223] : memref<8x20x8x128xf32, #tpu.memory_space<vmem>>, vector<8x1x8x128xf32>
    %swap3A_225 = vector.shape_cast %swap3A_224 : vector<8x1x8x128xf32> to vector<8x8x128xf32>
    %swap3A_226 = vector.shape_cast %reshape3A_219 : vector<8x8x128xf32> to vector<8x1x8x128xf32>
    tpu.vector_store %arg4[%swap3A_220, %swap3A_221, %swap3A_222, %swap3A_223], %swap3A_226 {strides = array<i32>} : memref<8x20x8x128xf32, #tpu.memory_space<vmem>>, vector<8x1x8x128xf32>,
    %slice3A_227 = vector.extract_strided_slice %get3A_7 {offsets = [896, 0], sizes = [64, 128], strides = [1, 1]} : vector<1280x128xf32> to vector<64x128xf32>
    %slice3A_228 = vector.extract_strided_slice %slice3A_227 {offsets = [0, 0], sizes = [64, 64], strides = [1, 1]} : vector<64x128xf32> to vector<64x64xf32>
    %dot_general3A_229 = arith.constant dense<0.000000e+00> : vector<64x128xf32>
    %dot_general3A_230 = tpu.matmul %slice3A_228, %get3A_1, %dot_general3A_229 {dimension_numbers = #tpu.dot_dimension_numbers<[0], [0], [1], [1], [0, 1, 1, 1], [], []>, transpose_lhs_hint = false} : vector<64x64xf32>, vector<64x128xf32>, vector<64x128xf32> -> vector<64x128xf32>
    %slice3A_231 = vector.extract_strided_slice %slice3A_227 {offsets = [0, 64], sizes = [64, 64], strides = [1, 1]} : vector<64x128xf32> to vector<64x64xf32>
    %dot_general3A_232 = arith.constant dense<0.000000e+00> : vector<64x128xf32>
    %dot_general3A_233 = tpu.matmul %slice3A_231, %get3A_4, %dot_general3A_232 {dimension_numbers = #tpu.dot_dimension_numbers<[0], [0], [1], [1], [0, 1, 1, 1], [], []>, transpose_lhs_hint = false} : vector<64x64xf32>, vector<64x128xf32>, vector<64x128xf32> -> vector<64x128xf32>
    %add3A_234 = arith.addf %dot_general3A_230, %dot_general3A_233 : vector<64x128xf32>
    %reshape3A_235 = vector.shape_cast %add3A_234 : vector<64x128xf32> to vector<8x8x128xf32>
    %swap3A_236 = arith.constant 0 : index
    %swap3A_237 = arith.constant 14 : index
    %swap3A_238 = arith.constant 0 : index
    %swap3A_239 = arith.constant 0 : index
    %swap3A_240 = vector.load %arg4[%swap3A_236, %swap3A_237, %swap3A_238, %swap3A_239] : memref<8x20x8x128xf32, #tpu.memory_space<vmem>>, vector<8x1x8x128xf32>
    %swap3A_241 = vector.shape_cast %swap3A_240 : vector<8x1x8x128xf32> to vector<8x8x128xf32>
    %swap3A_242 = vector.shape_cast %reshape3A_235 : vector<8x8x128xf32> to vector<8x1x8x128xf32>
    tpu.vector_store %arg4[%swap3A_236, %swap3A_237, %swap3A_238, %swap3A_239], %swap3A_242 {strides = array<i32>} : memref<8x20x8x128xf32, #tpu.memory_space<vmem>>, vector<8x1x8x128xf32>,
    %slice3A_243 = vector.extract_strided_slice %get3A_7 {offsets = [960, 0], sizes = [64, 128], strides = [1, 1]} : vector<1280x128xf32> to vector<64x128xf32>
    %slice3A_244 = vector.extract_strided_slice %slice3A_243 {offsets = [0, 0], sizes = [64, 64], strides = [1, 1]} : vector<64x128xf32> to vector<64x64xf32>
    %dot_general3A_245 = arith.constant dense<0.000000e+00> : vector<64x128xf32>
    %dot_general3A_246 = tpu.matmul %slice3A_244, %get3A_1, %dot_general3A_245 {dimension_numbers = #tpu.dot_dimension_numbers<[0], [0], [1], [1], [0, 1, 1, 1], [], []>, transpose_lhs_hint = false} : vector<64x64xf32>, vector<64x128xf32>, vector<64x128xf32> -> vector<64x128xf32>
    %slice3A_247 = vector.extract_strided_slice %slice3A_243 {offsets = [0, 64], sizes = [64, 64], strides = [1, 1]} : vector<64x128xf32> to vector<64x64xf32>
    %dot_general3A_248 = arith.constant dense<0.000000e+00> : vector<64x128xf32>
    %dot_general3A_249 = tpu.matmul %slice3A_247, %get3A_4, %dot_general3A_248 {dimension_numbers = #tpu.dot_dimension_numbers<[0], [0], [1], [1], [0, 1, 1, 1], [], []>, transpose_lhs_hint = false} : vector<64x64xf32>, vector<64x128xf32>, vector<64x128xf32> -> vector<64x128xf32>
    %add3A_250 = arith.addf %dot_general3A_246, %dot_general3A_249 : vector<64x128xf32>
    %reshape3A_251 = vector.shape_cast %add3A_250 : vector<64x128xf32> to vector<8x8x128xf32>
    %swap3A_252 = arith.constant 0 : index
    %swap3A_253 = arith.constant 15 : index
    %swap3A_254 = arith.constant 0 : index
    %swap3A_255 = arith.constant 0 : index
    %swap3A_256 = vector.load %arg4[%swap3A_252, %swap3A_253, %swap3A_254, %swap3A_255] : memref<8x20x8x128xf32, #tpu.memory_space<vmem>>, vector<8x1x8x128xf32>
    %swap3A_257 = vector.shape_cast %swap3A_256 : vector<8x1x8x128xf32> to vector<8x8x128xf32>
    %swap3A_258 = vector.shape_cast %reshape3A_251 : vector<8x8x128xf32> to vector<8x1x8x128xf32>
    tpu.vector_store %arg4[%swap3A_252, %swap3A_253, %swap3A_254, %swap3A_255], %swap3A_258 {strides = array<i32>} : memref<8x20x8x128xf32, #tpu.memory_space<vmem>>, vector<8x1x8x128xf32>,
    %slice3A_259 = vector.extract_strided_slice %get3A_7 {offsets = [1024, 0], sizes = [64, 128], strides = [1, 1]} : vector<1280x128xf32> to vector<64x128xf32>
    %slice3A_260 = vector.extract_strided_slice %slice3A_259 {offsets = [0, 0], sizes = [64, 64], strides = [1, 1]} : vector<64x128xf32> to vector<64x64xf32>
    %dot_general3A_261 = arith.constant dense<0.000000e+00> : vector<64x128xf32>
    %dot_general3A_262 = tpu.matmul %slice3A_260, %get3A_1, %dot_general3A_261 {dimension_numbers = #tpu.dot_dimension_numbers<[0], [0], [1], [1], [0, 1, 1, 1], [], []>, transpose_lhs_hint = false} : vector<64x64xf32>, vector<64x128xf32>, vector<64x128xf32> -> vector<64x128xf32>
    %slice3A_263 = vector.extract_strided_slice %slice3A_259 {offsets = [0, 64], sizes = [64, 64], strides = [1, 1]} : vector<64x128xf32> to vector<64x64xf32>
    %dot_general3A_264 = arith.constant dense<0.000000e+00> : vector<64x128xf32>
    %dot_general3A_265 = tpu.matmul %slice3A_263, %get3A_4, %dot_general3A_264 {dimension_numbers = #tpu.dot_dimension_numbers<[0], [0], [1], [1], [0, 1, 1, 1], [], []>, transpose_lhs_hint = false} : vector<64x64xf32>, vector<64x128xf32>, vector<64x128xf32> -> vector<64x128xf32>
    %add3A_266 = arith.addf %dot_general3A_262, %dot_general3A_265 : vector<64x128xf32>
    %reshape3A_267 = vector.shape_cast %add3A_266 : vector<64x128xf32> to vector<8x8x128xf32>
    %swap3A_268 = arith.constant 0 : index
    %swap3A_269 = arith.constant 16 : index
    %swap3A_270 = arith.constant 0 : index
    %swap3A_271 = arith.constant 0 : index
    %swap3A_272 = vector.load %arg4[%swap3A_268, %swap3A_269, %swap3A_270, %swap3A_271] : memref<8x20x8x128xf32, #tpu.memory_space<vmem>>, vector<8x1x8x128xf32>
    %swap3A_273 = vector.shape_cast %swap3A_272 : vector<8x1x8x128xf32> to vector<8x8x128xf32>
    %swap3A_274 = vector.shape_cast %reshape3A_267 : vector<8x8x128xf32> to vector<8x1x8x128xf32>
    tpu.vector_store %arg4[%swap3A_268, %swap3A_269, %swap3A_270, %swap3A_271], %swap3A_274 {strides = array<i32>} : memref<8x20x8x128xf32, #tpu.memory_space<vmem>>, vector<8x1x8x128xf32>,
    %slice3A_275 = vector.extract_strided_slice %get3A_7 {offsets = [1088, 0], sizes = [64, 128], strides = [1, 1]} : vector<1280x128xf32> to vector<64x128xf32>
    %slice3A_276 = vector.extract_strided_slice %slice3A_275 {offsets = [0, 0], sizes = [64, 64], strides = [1, 1]} : vector<64x128xf32> to vector<64x64xf32>
    %dot_general3A_277 = arith.constant dense<0.000000e+00> : vector<64x128xf32>
    %dot_general3A_278 = tpu.matmul %slice3A_276, %get3A_1, %dot_general3A_277 {dimension_numbers = #tpu.dot_dimension_numbers<[0], [0], [1], [1], [0, 1, 1, 1], [], []>, transpose_lhs_hint = false} : vector<64x64xf32>, vector<64x128xf32>, vector<64x128xf32> -> vector<64x128xf32>
    %slice3A_279 = vector.extract_strided_slice %slice3A_275 {offsets = [0, 64], sizes = [64, 64], strides = [1, 1]} : vector<64x128xf32> to vector<64x64xf32>
    %dot_general3A_280 = arith.constant dense<0.000000e+00> : vector<64x128xf32>
    %dot_general3A_281 = tpu.matmul %slice3A_279, %get3A_4, %dot_general3A_280 {dimension_numbers = #tpu.dot_dimension_numbers<[0], [0], [1], [1], [0, 1, 1, 1], [], []>, transpose_lhs_hint = false} : vector<64x64xf32>, vector<64x128xf32>, vector<64x128xf32> -> vector<64x128xf32>
    %add3A_282 = arith.addf %dot_general3A_278, %dot_general3A_281 : vector<64x128xf32>
    %reshape3A_283 = vector.shape_cast %add3A_282 : vector<64x128xf32> to vector<8x8x128xf32>
    %swap3A_284 = arith.constant 0 : index
    %swap3A_285 = arith.constant 17 : index
    %swap3A_286 = arith.constant 0 : index
    %swap3A_287 = arith.constant 0 : index
    %swap3A_288 = vector.load %arg4[%swap3A_284, %swap3A_285, %swap3A_286, %swap3A_287] : memref<8x20x8x128xf32, #tpu.memory_space<vmem>>, vector<8x1x8x128xf32>
    %swap3A_289 = vector.shape_cast %swap3A_288 : vector<8x1x8x128xf32> to vector<8x8x128xf32>
    %swap3A_290 = vector.shape_cast %reshape3A_283 : vector<8x8x128xf32> to vector<8x1x8x128xf32>
    tpu.vector_store %arg4[%swap3A_284, %swap3A_285, %swap3A_286, %swap3A_287], %swap3A_290 {strides = array<i32>} : memref<8x20x8x128xf32, #tpu.memory_space<vmem>>, vector<8x1x8x128xf32>,
    %slice3A_291 = vector.extract_strided_slice %get3A_7 {offsets = [1152, 0], sizes = [64, 128], strides = [1, 1]} : vector<1280x128xf32> to vector<64x128xf32>
    %slice3A_292 = vector.extract_strided_slice %slice3A_291 {offsets = [0, 0], sizes = [64, 64], strides = [1, 1]} : vector<64x128xf32> to vector<64x64xf32>
    %dot_general3A_293 = arith.constant dense<0.000000e+00> : vector<64x128xf32>
    %dot_general3A_294 = tpu.matmul %slice3A_292, %get3A_1, %dot_general3A_293 {dimension_numbers = #tpu.dot_dimension_numbers<[0], [0], [1], [1], [0, 1, 1, 1], [], []>, transpose_lhs_hint = false} : vector<64x64xf32>, vector<64x128xf32>, vector<64x128xf32> -> vector<64x128xf32>
    %slice3A_295 = vector.extract_strided_slice %slice3A_291 {offsets = [0, 64], sizes = [64, 64], strides = [1, 1]} : vector<64x128xf32> to vector<64x64xf32>
    %dot_general3A_296 = arith.constant dense<0.000000e+00> : vector<64x128xf32>
    %dot_general3A_297 = tpu.matmul %slice3A_295, %get3A_4, %dot_general3A_296 {dimension_numbers = #tpu.dot_dimension_numbers<[0], [0], [1], [1], [0, 1, 1, 1], [], []>, transpose_lhs_hint = false} : vector<64x64xf32>, vector<64x128xf32>, vector<64x128xf32> -> vector<64x128xf32>
    %add3A_298 = arith.addf %dot_general3A_294, %dot_general3A_297 : vector<64x128xf32>
    %reshape3A_299 = vector.shape_cast %add3A_298 : vector<64x128xf32> to vector<8x8x128xf32>
    %swap3A_300 = arith.constant 0 : index
    %swap3A_301 = arith.constant 18 : index
    %swap3A_302 = arith.constant 0 : index
    %swap3A_303 = arith.constant 0 : index
    %swap3A_304 = vector.load %arg4[%swap3A_300, %swap3A_301, %swap3A_302, %swap3A_303] : memref<8x20x8x128xf32, #tpu.memory_space<vmem>>, vector<8x1x8x128xf32>
    %swap3A_305 = vector.shape_cast %swap3A_304 : vector<8x1x8x128xf32> to vector<8x8x128xf32>
    %swap3A_306 = vector.shape_cast %reshape3A_299 : vector<8x8x128xf32> to vector<8x1x8x128xf32>
    tpu.vector_store %arg4[%swap3A_300, %swap3A_301, %swap3A_302, %swap3A_303], %swap3A_306 {strides = array<i32>} : memref<8x20x8x128xf32, #tpu.memory_space<vmem>>, vector<8x1x8x128xf32>,
    %slice3A_307 = vector.extract_strided_slice %get3A_7 {offsets = [1216, 0], sizes = [64, 128], strides = [1, 1]} : vector<1280x128xf32> to vector<64x128xf32>
    %slice3A_308 = vector.extract_strided_slice %slice3A_307 {offsets = [0, 0], sizes = [64, 64], strides = [1, 1]} : vector<64x128xf32> to vector<64x64xf32>
    %dot_general3A_309 = arith.constant dense<0.000000e+00> : vector<64x128xf32>
    %dot_general3A_310 = tpu.matmul %slice3A_308, %get3A_1, %dot_general3A_309 {dimension_numbers = #tpu.dot_dimension_numbers<[0], [0], [1], [1], [0, 1, 1, 1], [], []>, transpose_lhs_hint = false} : vector<64x64xf32>, vector<64x128xf32>, vector<64x128xf32> -> vector<64x128xf32>
    %slice3A_311 = vector.extract_strided_slice %slice3A_307 {offsets = [0, 64], sizes = [64, 64], strides = [1, 1]} : vector<64x128xf32> to vector<64x64xf32>
    %dot_general3A_312 = arith.constant dense<0.000000e+00> : vector<64x128xf32>
    %dot_general3A_313 = tpu.matmul %slice3A_311, %get3A_4, %dot_general3A_312 {dimension_numbers = #tpu.dot_dimension_numbers<[0], [0], [1], [1], [0, 1, 1, 1], [], []>, transpose_lhs_hint = false} : vector<64x64xf32>, vector<64x128xf32>, vector<64x128xf32> -> vector<64x128xf32>
    %add3A_314 = arith.addf %dot_general3A_310, %dot_general3A_313 : vector<64x128xf32>
    %reshape3A_315 = vector.shape_cast %add3A_314 : vector<64x128xf32> to vector<8x8x128xf32>
    %swap3A_316 = arith.constant 0 : index
    %swap3A_317 = arith.constant 19 : index
    %swap3A_318 = arith.constant 0 : index
    %swap3A_319 = arith.constant 0 : index
    %swap3A_320 = vector.load %arg4[%swap3A_316, %swap3A_317, %swap3A_318, %swap3A_319] : memref<8x20x8x128xf32, #tpu.memory_space<vmem>>, vector<8x1x8x128xf32>
    %swap3A_321 = vector.shape_cast %swap3A_320 : vector<8x1x8x128xf32> to vector<8x8x128xf32>
    %swap3A_322 = vector.shape_cast %reshape3A_315 : vector<8x8x128xf32> to vector<8x1x8x128xf32>
    tpu.vector_store %arg4[%swap3A_316, %swap3A_317, %swap3A_318, %swap3A_319], %swap3A_322 {strides = array<i32>} : memref<8x20x8x128xf32, #tpu.memory_space<vmem>>, vector<8x1x8x128xf32>,
    return
  }
  func.func @transform_0(%arg0: i32) -> (i32, i32) {
    %c0_i32 = arith.constant 0 : i32
    %c0_i32_0 = arith.constant 0 : i32
    %c0_i32_1 = arith.constant 0 : i32
    return %c0_i32, %c0_i32_0 : i32, i32
  }
  func.func @transform_1(%arg0: i32) -> (i32, i32) {
    %c0_i32 = arith.constant 0 : i32
    %c0_i32_0 = arith.constant 0 : i32
    %c0_i32_1 = arith.constant 0 : i32
    return %c0_i32, %c0_i32_0 : i32, i32
  }
  func.func @transform_2(%arg0: i32) -> (i32, i32) {
    %c0_i32 = arith.constant 0 : i32
    %c0_i32_0 = arith.constant 0 : i32
    return %arg0, %c0_i32 : i32, i32
  }
  func.func @transform_3(%arg0: i32) -> (i32, i32, i32, i32) {
    %c0_i32 = arith.constant 0 : i32
    %c0_i32_0 = arith.constant 0 : i32
    %c0_i32_1 = arith.constant 0 : i32
    %c0_i32_2 = arith.constant 0 : i32
    return %c0_i32, %arg0, %c0_i32_0, %c0_i32_1 : i32, i32, i32, i32
  }
}

</mosaic_0001>

<sc_bundles>
// kernel: kernel.5.cloned.1.call-start
scs
__scs_entry_jumppad:
0x0: {  	(pc) =	sbr.rel $0x88, $3  }
0x1: {  	(tag) =	ssettag $0x0;
	lr =	simm.s32 $0x1  }
0x2: {  	[smem:$0x3F9B] =	sst lr;
	_ =	strace $0xD0000000  }
0x3: {  	_ = 	snop  }
0x4: {  	_ = 	snop  }
0x5: {  	_ = 	snop  }
0x6: {  	_ = 	snop  }
0x7: {  	_ = 	snop  }
__scs_overlays_trampoline_lowered:
0x8: {  	[smem:$0x3FAA] =	sst s0  }
0x9: {  	[smem:$0x3FAB] =	sst s1  }
0xa: {  	[smem:$0x3FAC] =	sst s2  }
0xb: {  	[smem:$0x3FAD] =	sst s3  }
0xc: {  	[smem:$0x3FAE] =	sst s4  }
0xd: {  	[smem:$0x3FAF] =	sst s5  }
0xe: {  	[smem:$0x3FB0] =	sst s6  }
0xf: {  	[smem:$0x3FB1] =	sst s7  }
0x10: {  	[smem:$0x3FB2] =	sst s8  }
0x11: {  	[smem:$0x3FB3] =	sst s9;
	s0 =	simm.s32 @!p0 $0x0  }
0x12: {  	s1 =	sld [smem:$0x3F99];
	s0 =	simm.s32 @p0 $0x1  }
0x13: {  	[smem:$0x3FB4] =	sst s0;
	s0 =	simm.s32 @!p1 $0x0  }
0x14: {  	s2 =	sld [smem:$0x3F98];
	s0 =	simm.s32 @p1 $0x1  }
0x15: {  	[smem:$0x3FB5] =	sst s0;
	s0 =	simm.s32 @!p2 $0x0  }
0x16: {  	s3 =	sld [smem:$0x3FDB];
	s0 =	simm.s32 @p2 $0x1  }
0x17: {  	s4 =	simm.s32 $0x1BF5;
	[smem:$0x3FB7] =	sst s0  }
0x18: {  	s0 =	sld [smem:$0x3F9A];
	_ =	swait.ge [sflag:s4], $0x0  }
0x19: {  	s7 =	sld [smem:$0x3F9B]  }
0x1a: {  	s8 =	sadd.s32 $0xFFFFE003, lr  }
0x1b: {  	s9 =	sadd.s32 $0xFFFFFEF7, lr;
	s5 =	simm.s32 $0xFFFFFFFF;
	p2 =	slt.u32 s8, $0xFFFFF086  }
0x1c: {  	p1 =	slt.u32 s9, $0xF7A;
	s5 =	simm.s32 @!p2 $0x0  }
0x1d: {  	s5 =	simm.s32 @p1 $0x1;
	p0 =	seq.s32 s7, s2  }
0x1e: {  	s7 =	smul.u32 @!p0 $0xF7A, s2;
	p2 =	seq.s32 @!p0 s5, $0x0  }
0x1f: {  	s9 =	smul.u32 $0xF7A, s1;
	s8 =	simm.s32 @!p0 $0x1BF5;
	p2 =	por !p2, p0  }
0x20: {  	[sflag:s8] =	ssyncset.s32 @!p0 $0xFFFFF086;
	s6 =	sadd.s32 @!p0 s3, s7;
	s7 =	simm.s32 @!p0 $0x108  }
0x21: {  	s3 =	sadd.s32 s3, s9;
	s6 =	sadd.s32 @!p0 $0x88, s6;
	s7 =	simm.s32 @p2 $0x1082  }
0x22: {  	[simem:s7], [sflag:s8] =	dma.local @!p0 [hbm:s6], $0xF7A  }
0x23: {  	s9 =	sor.u32 $0xD0000000, s2;
	s6 =	simm.s32 $0x108;
	_ =	swait.ge @!p0 [sflag:s8], $0x0  }
0x24: {  	s3 =	sadd.s32 $0x88, s3;
	s6 =	simm.s32 @!p1 $0x1082;
	[sflag:s4] =	ssyncset.s32 $0xFFFFF086  }
0x25: {  	[simem:s6], [sflag:s4] =	dma.local [hbm:s3], $0xF7A  }
0x26: {  	[smem:$0x3F9B] =	sst s1;
	(tag) =	ssettag s2;
	_ =	strace s9  }
0x27: {  	s1 =	sld [smem:$0x3FAB]  }
0x28: {  	s2 =	sld [smem:$0x3FAC]  }
0x29: {  	s4 =	sld [smem:$0x3FAE]  }
0x2a: {  	p0 =	seq.s32 s5, $0x0;
	s5 =	sld [smem:$0x3FAF]  }
0x2b: {  	s6 =	sld [smem:$0x3FB0]  }
0x2c: {  	s7 =	sld [smem:$0x3FB1]  }
0x2d: {  	s3 =	simm.s32 $0x108;
	s8 =	sld [smem:$0x3FB2]  }
0x2e: {  	s3 =	simm.s32 @!p0 $0x1082;
	s9 =	sld [smem:$0x3FB3]  }
0x2f: {  	lr =	sadd.s32 s0, s3;
	s0 =	sld [smem:$0x3FAA]  }
0x30: {  	s3 =	sld [smem:$0x3FAD]  }
0x31: {  	[smem:$0x3FB6] =	sst s10  }
0x32: {  	s10 =	sld [smem:$0x3FB4];
	_ =	sdelay $0x3  }
0x33: {  	p0 =	seq.s32 s10, $0x1;
	s10 =	sld [smem:$0x3FB6];
	_ =	sdelay $0x3  }
0x34: {  	[smem:$0x3FB6] =	sst s10  }
0x35: {  	s10 =	sld [smem:$0x3FB5];
	_ =	sdelay $0x3  }
0x36: {  	p1 =	seq.s32 s10, $0x1;
	s10 =	sld [smem:$0x3FB6];
	_ =	sdelay $0x3  }
0x37: {  	[smem:$0x3FB6] =	sst s10  }
0x38: {  	s10 =	sld [smem:$0x3FB7]  }
0x39: {  	_ = 	snop;
	(pc) =	sbr.ind lr, $3  }
0x3a: {  	_ = 	snop  }
0x3b: {  	_ = 	snop  }
0x3c: {  	p2 =	seq.s32 s10, $0x1;
	s10 =	sld [smem:$0x3FB6]  }
0x3d: {  	_ =	shalt  }
0x3e: {  	_ =	shalt  }
0x3f: {  	_ =	shalt  }
0x40: {  	_ =	shalt  }
0x41: {  	_ =	shalt  }
0x42: {  	_ =	shalt  }
0x43: {  	_ =	shalt  }
0x44: {  	_ =	shalt  }
0x45: {  	_ =	shalt  }
0x46: {  	_ =	shalt  }
0x47: {  	_ =	shalt  }
0x48: {  	_ =	shalt  }
0x49: {  	_ =	shalt  }
0x4a: {  	_ =	shalt  }
0x4b: {  	_ =	shalt  }
0x4c: {  	_ =	shalt  }
0x4d: {  	_ =	shalt  }
0x4e: {  	_ =	shalt  }
0x4f: {  	_ =	shalt  }
0x50: {  	_ =	shalt  }
0x51: {  	_ =	shalt  }
0x52: {  	_ =	shalt  }
0x53: {  	_ =	shalt  }
0x54: {  	_ =	shalt  }
0x55: {  	_ =	shalt  }
0x56: {  	_ =	shalt  }
0x57: {  	_ =	shalt  }
0x58: {  	_ =	shalt  }
0x59: {  	_ =	shalt  }
0x5a: {  	_ =	shalt  }
0x5b: {  	_ =	shalt  }
0x5c: {  	_ =	shalt  }
0x5d: {  	_ =	shalt  }
0x5e: {  	_ =	shalt  }
0x5f: {  	_ =	shalt  }
0x60: {  	_ =	shalt  }
0x61: {  	_ =	shalt  }
0x62: {  	_ =	shalt  }
0x63: {  	_ =	shalt  }
0x64: {  	_ =	shalt  }
0x65: {  	_ =	shalt  }
0x66: {  	_ =	shalt  }
0x67: {  	_ =	shalt  }
0x68: {  	_ =	shalt  }
0x69: {  	_ =	shalt  }
0x6a: {  	_ =	shalt  }
0x6b: {  	_ =	shalt  }
0x6c: {  	_ =	shalt  }
0x6d: {  	_ =	shalt  }
0x6e: {  	_ =	shalt  }
0x6f: {  	_ =	shalt  }
0x70: {  	_ =	shalt  }
0x71: {  	_ =	shalt  }
0x72: {  	_ =	shalt  }
0x73: {  	_ =	shalt  }
0x74: {  	_ =	shalt  }
0x75: {  	_ =	shalt  }
0x76: {  	_ =	shalt  }
0x77: {  	_ =	shalt  }
0x78: {  	_ =	shalt  }
0x79: {  	_ =	shalt  }
0x7a: {  	_ =	shalt  }
0x7b: {  	_ =	shalt  }
0x7c: {  	_ =	shalt  }
0x7d: {  	_ =	shalt  }
0x7e: {  	_ =	shalt  }
0x7f: {  	_ =	shalt  }
0x80: {  	_ =	shalt  }
0x81: {  	_ =	shalt  }
0x82: {  	_ =	shalt  }
0x83: {  	_ =	shalt  }
0x84: {  	_ =	shalt  }
0x85: {  	_ =	shalt  }
0x86: {  	_ =	shalt  }
0x87: {  	_ =	shalt  }
.Lfunc_end0:
.L_simem_size_0:
called_computation_lowered:
.L_overlay_start_0:
0x88: {  	s2 =	sld [smem:$0x3FD9]  }
0x89: {  	s3 =	sld [smem:$0x3FFE];
	_ =	sdelay $0x1  }
0x8a: {  	s1 =	srdreg.scid  }
0x8b: {  	s0 =	sand.u32 $0x1, s1  }
0x8c: {  	s17 =	sshll.u32 s0, $0xA;
	s2 =	sadd.s32 s3, s2  }
0x8d: {  	s2 =	sadd.s32 s2, s17  }
0x8e: {  	[smem:$0x3FC2] =	sst s2  }
0x8f: {  	_ = 	snop  }
0x90: {  	s2 =	sld [smem:$0x3FD0];
	(tm) =	ssettm $0x1  }
0x91: {  	s18 =	sld [smem:$0x3FFB];
	_ =	sdelay $0x3  }
0x92: {  	_ =	strace s18  }
0x93: {  	s3 =	sld [smem:$0x3FFC];
	_ =	sdelay $0x3  }
0x94: {  	_ =	strace s3  }
0x95: {  	s3 =	sld [smem:$0x3FFD];
	_ =	sdelay $0x3  }
0x96: {  	_ =	strace s3  }
0x97: {  	_ =	strace $0x8FFFFFFF  }
0x98: {  	s19 =	sld [smem:$0x3FDB];
	_ =	sdelay $0x1  }
0x99: {  	s4 =	simm.s32 $_scs_section_size  }
0x9a: {  	s5 =	simm.s32 $_size__tile_overlayer_lowered;
	s6 =	simm.s32 $_tile_overlayer_lowered  }
0x9b: {  	s22 =	simm.s32 $0x1BFF;
	s21 =	sshll.u32 s6, $0x1;
	s3 =	sadd.s32 s4, s19  }
0x9c: {  	s7 =	simm.s32 $0x0;
	s20 =	sshll.u32 s5, $0x1;
	s5 =	sadd.s32 s21, s3  }
0x9d: {  	[timem:s7], [sflag:s22] =	dma.local [hbm:s5], s20  }
0x9e: {  	_ =	swait.ge [sflag:s22], s20  }
0x9f: {  	s4 =	ssub.s32 $0x0, s20;
	[sflag:s22] =	ssyncset.done $0x0  }
0xa0: {  	[sflag:s22] =	ssyncadd.s32 s4;
	_ =	sdelay $0x1  }
0xa1: {  	s23 =	simm.s32 $0x1B8B  }
0xa2: {  	_ =	swait.ge [sflag:s23], $0x1  }
0xa3: {  	[sflag:s23] =	ssyncset.done $0x0  }
0xa4: {  	s25 =	simm.s32 $0x1B8E;
	s24 =	sld [smem:$0x3FFE];
	[sflag:s23] =	ssyncadd.s32 $0xFFFFFFFF  }
0xa5: {  	s26 =	simm.s32 $execute0_lowered;
	[smem:$0x3FD2] =	sst s25  }
0xa6: {  	s5 =	sshll.u32 s26, $0x1;
	_ =	strace $0x80000046;
	[dreg:$0x1] =	wrdreg $0xFFFFFFFF  }
0xa7: {  	s28 =	simm.s32 $_size_execute0_lowered;
	s3 =	sadd.s32 s3, s5;
	[dreg:$0x0] =	wrdreg $0x0  }
0xa8: {  	s5 =	sshll.u32 s28, $0x1;
	[dreg:$0x2] =	wrdreg s3  }
0xa9: {  	[dreg:$0x3] =	wrdreg s5  }
0xaa: {  	[dreg:$0x4] =	wrdreg $0xC0  }
0xab: {  	_ =	task [dreg:s7], $0x5FFFF  }
0xac: {  	[dreg:$0x1] =	wrdreg $0xFFFFFFFF  }
0xad: {  	[dreg:$0x0] =	wrdreg $0x60  }
0xae: {  	[dreg:$0x2] =	wrdreg s2  }
0xaf: {  	[dreg:$0x3] =	wrdreg s24  }
0xb0: {  	[dreg:$0x4] =	wrdreg $0x0  }
0xb1: {  	[dreg:$0x5] =	wrdreg $0x9  }
0xb2: {  	_ =	task.clear_ibuf [dreg:s7], $0x6FFFF;
	_ =	strace $0x90000046  }
0xb3: {  	s29 =	simm.s32 $0x9;
	_ =	strace $0x80000048  }
0xb4: {  	_ =	swait.ge [sflag:s29], $0x1  }
0xb5: {  	[sflag:s29] =	ssyncadd.s32 $0xFFFFFFFF  }
0xb6: {  	_ =	strace $0x90000048  }
0xb7: {  	_ =	sfence  }
0xb8: {  	s30 =	sld [smem:$0x0];
	_ =	sdelay $0x2  }
0xb9: {  	s31 =	sshll.u32 s1, $0xD;
	s1 =	sshrl.u32 s1, $0x2  }
0xba: {  	s3 =	sand.u32 $0x4000, s31;
	s1 =	sadd.s32 s1, s30  }
0xbb: {  	s0 =	sor.u32 s3, s0;
	s1 =	sshll.u32 s1, $0x11  }
0xbc: {  	s0 =	sor.u32 s1, s0  }
0xbd: {  	s0 =	sadd.s32 $0x8F2B, s0  }
0xbe: {  	[sflag:s0] =	ssyncadd.remote.s32 $0x1  }
0xbf: {  	_ =	sfence.sel $0xFFFF  }
0xc0: {  	[dreg:$0x0] =	wrdreg $0xFFFFFFFF;
	(pc) =	sbr.abs _section_cstart, $3  }
0xc1: {  	[dreg:$0x1] =	wrdreg $0xFFFFFFFF  }
0xc2: {  	_ =	task.clear_ibuf [dreg:s7], $0x2FFFF;
	_ =	strace $0x9FFFFFFF  }
0xc3: {  	(tm) =	ssettm $0x7FFFFFFF  }
tec
execute0_lowered:
.L_overlay_start_1:
0x0: {  	(tag) =	ssettag $0x1  }
0x1: {  	s0 =	rddreg [dreg:$0x1]  }
0x2: {  	s2 =	rddreg [dreg:$0x2];
	s3 =	simm.s32 $0x0  }
0x3: {  	s1 =	srdreg.scid;
	s4 =	stileid.u32;
	s22 =	simm.s32 $0xEA60  }
0x4: {  	s23 =	simm.s32 $0xEAE0;
	s24 =	simm.s32 $0xEB60;
	s25 =	simm.s32 $0xEBE0  }
0x5: {  	s28 =	simm.s32 $0x8;
	s29 =	simm.s32 $0x9;
	s30 =	simm.s32 $0xA  }
0x6: {  	s31 =	simm.s32 $0xB;
	[smem:$0x7FF] =	sst s3;
	s1 =	sand.u32 $0x1, s1  }
0x7: {  	s5 =	smul.u32 $0x4E20, s4;
	s6 =	sshll.u32 s4, $0x1;
	s12 =	sadd.s32 $0xAA40, s0  }
0x8: {  	s8 =	sadd.s32 $0x14800, s0;
	_ =	strace $0x80000047;
	[dreg:$0xf] =	wrdreg s12  }
0x9: {  	s13 =	smul.u32 $0x27100, s4;
	p0 =	sne.s32 s4, $0x0;
	[dreg:$0xa] =	wrdreg s22  }
0xa: {  	s7 =	smul.u32 $0x2710, s1;
	s9 =	ssub.s32 $0x2, s1;
	[dreg:$0xb] =	wrdreg s23  }
0xb: {  	s6 =	sor.u32 s1, s6;
	s1 =	smul.u32 $0x13880, s1;
	[dreg:$0xc] =	wrdreg s24  }
0xc: {  	[dreg:$0xd] =	wrdreg s25;
	s22 =	simm.s32 $0x3;
	s23 =	simm.s32 $0x4  }
0xd: {  	s24 =	simm.s32 $0x5;
	s25 =	simm.s32 $0x6;
	s11 =	smul.u32 $0x2710, s6  }
0xe: {  	s10 =	sshrl.u32 s9, $0x1;
	s6 =	smul.u32 $0x9C400, s6;
	s5 =	sadd.s32 s7, s5  }
0xf: {  	s26 =	ssub.s32 s9, s10;
	s9 =	sadd.s32 s13, s8;
	s10 =	simm.s32 $0xE  }
0x10: {  	s13 =	simm.s32 $0xED60;
	s5 =	sshll.u32 s5, $0x3;
	s15 =	sshrl.u32 s11, $0x3  }
0x11: {  	s1 =	sadd.s32 s1, s9;
	s18 =	sshrl.u32 s6, $0x3;
	s21 =	smax.u32 s26, $0x1  }
0x12: {  	s9 =	simm.s32 $0x9C40;
	s26 =	simm.s32 $0xEC60;
	s11 =	simm.s32 $0xD  }
0x13: {  	s14 =	sadd.s32 s8, s5;
	s5 =	sadd.s32 s15, s12;
	[dreg:$0x5] =	wrdreg s1  }
0x14: {  	[dreg:$0x12] =	wrdreg s21;
	s12 =	simm.s32 $0x80;
	s15 =	simm.s32 $0x12D60  }
0x15: {  	[dreg:$0xe] =	wrdreg s26;
	s21 =	simm.s32 $0x2;
	s26 =	simm.s32 $0x7  }
0x16: {  	s1 =	simm.s32 $0x1AD70;
	s16 =	sadd.s32 $0x1400, s14;
	[dreg:$0x10] =	wrdreg s5  }
0x17: {  	s17 =	sadd.s32 $0x1000, s14;
	s19 =	sadd.s32 $0xC00, s14;
	[dreg:$0x4] =	wrdreg s16  }
0x18: {  	s5 =	sadd.s32 s8, s18;
	s20 =	sadd.s32 $0x400, s14;
	[dreg:$0x6] =	wrdreg s17  }
0x19: {  	s0 =	sadd.s32 $0x800, s14;
	s8 =	sshrl.u32 @!p0 s2, $0x3;
	[dreg:$0x7] =	wrdreg s19  }
0x1a: {  	s14 =	simm.s32 $0x10D60;
	s18 =	simm.s32 $0xECE0;
	[dreg:$0x8] =	wrdreg s20  }
0x1b: {  	s5 =	sadd.s32 $0x13800, s5;
	[dreg:$0x9] =	wrdreg s0;
	s16 =	simm.s32 $0x14D60  }
0x1c: {  	s17 =	simm.s32 $0x16D60;
	s19 =	simm.s32 $0x18D60;
	s20 =	simm.s32 $0x1  }
0x1d: {  	s0 =	simm.s32 $0xC;
	[dreg:$0x11] =	wrdreg s5;
	s5 =	simm.s32 $0x0  }
.LBB2_1:
0x1e: {  	s4 =	simm.s32 @!p0 $0x1C0E;
	s6 =	rddreg [dreg:$0x0]  }
0x1f: {  	[spmem:s8], [sflag:s4] =	dma.local @!p0 [hbm:s6], $0x13880  }
0x20: {  	s4 =	simm.s32 @!p0 $0xE  }
0x21: {  	_ =	swait.ge @!p0 [sflag:s4], $0x13880  }
0x22: {  	[sflag:s4] =	ssyncset.done @!p0 $0x0  }
0x23: {  	s7 =	rddreg [dreg:$0xf];
	[sflag:s4] =	ssyncadd.s32 @!p0 $0xFFFEC780  }
0x24: {  	[tilespmem:s9], [sflag:$0xE] =	stream.linear.gather [hbm4b:s7+s3], $0x2710, $0x38;
	[tilespmem:$0x1B170] =	vst v63  }
0x25: {  	_ =	swait.ge [sflag:s10], $0x2710  }
0x26: {  	[sflag:s10] =	ssyncset.done $0x0  }
0x27: {  	s7 =	simm.s32 $0xC350;
	s6 =	rddreg [dreg:$0x10];
	[sflag:s10] =	ssyncadd.s32 $0xFFFFD8F0  }
0x28: {  	[tilespmem:s7], [sflag:$0xE] =	stream.linear.gather [hbm4b:s6+s3], $0x2710, $0x38;
	[tilespmem:$0x1B170] =	vst v63  }
0x29: {  	_ =	swait.ge [sflag:s10], $0x2710  }
0x2a: {  	[sflag:s10] =	ssyncset.done $0x0  }
0x2b: {  	[sflag:s10] =	ssyncadd.s32 $0xFFFFD8F0  }
0x2c: {  	s4 =	simm.s32 $0xC4D0;
	s6 =	simm.s32 $0x0;
	[bflag:$0x0] =	sbarrier.arrive $0xFFFF  }
.LBB2_2:
0x2d: {  	p1 =	seq.s32 s6, $0x0  }
0x2e: {  	s7 =	simm.s32 @!p1 $0x7  }
0x2f: {  	_ =	swait.ge @!p1 [sflag:s7], $0x2000  }
0x30: {  	[sflag:s7] =	ssyncset.done @!p1 $0x0  }
0x31: {  	[sflag:s7] =	ssyncadd.s32 @!p1 $0xFFFFE000  }
0x32: {  	v0 =	vld [tilespmem:s4+$0xFFFFFE80];
	_ =	sdelay $0x7  }
0x33: {  	v0 =	vld.idx.msk [tilespmem:v0+s9+$0x0], $0xffff;
	_ =	sdelay $0x4  }
0x34: {  	[tilespmem:$0xEA60] =	vst v0  }
0x35: {  	v0 =	vld [tilespmem:s4+$0xFFFFFE90];
	_ =	sdelay $0x7  }
0x36: {  	v0 =	vld.idx.msk [tilespmem:v0+s9+$0x0], $0xffff;
	_ =	sdelay $0x4  }
0x37: {  	[tilespmem:$0xEA70] =	vst v0  }
0x38: {  	v0 =	vld [tilespmem:s4+$0xFFFFFEA0];
	_ =	sdelay $0x7  }
0x39: {  	v0 =	vld.idx.msk [tilespmem:v0+s9+$0x0], $0xffff;
	_ =	sdelay $0x4  }
0x3a: {  	[tilespmem:$0xEA80] =	vst v0  }
0x3b: {  	v0 =	vld [tilespmem:s4+$0xFFFFFEB0];
	_ =	sdelay $0x7  }
0x3c: {  	v0 =	vld.idx.msk [tilespmem:v0+s9+$0x0], $0xffff;
	_ =	sdelay $0x4  }
0x3d: {  	[tilespmem:$0xEA90] =	vst v0  }
0x3e: {  	v0 =	vld [tilespmem:s4+$0xFFFFFEC0];
	_ =	sdelay $0x7  }
0x3f: {  	v0 =	vld.idx.msk [tilespmem:v0+s9+$0x0], $0xffff;
	_ =	sdelay $0x4  }
0x40: {  	[tilespmem:$0xEAA0] =	vst v0  }
0x41: {  	v0 =	vld [tilespmem:s4+$0xFFFFFED0];
	_ =	sdelay $0x7  }
0x42: {  	v0 =	vld.idx.msk [tilespmem:v0+s9+$0x0], $0xffff;
	_ =	sdelay $0x4  }
0x43: {  	[tilespmem:$0xEAB0] =	vst v0  }
0x44: {  	v0 =	vld [tilespmem:s4+$0xFFFFFEE0];
	_ =	sdelay $0x7  }
0x45: {  	v0 =	vld.idx.msk [tilespmem:v0+s9+$0x0], $0xffff;
	_ =	sdelay $0x4  }
0x46: {  	[tilespmem:$0xEAC0] =	vst v0  }
0x47: {  	v0 =	vld [tilespmem:s4+$0xFFFFFEF0];
	_ =	sdelay $0x7  }
0x48: {  	v0 =	vld.idx.msk [tilespmem:v0+s9+$0x0], $0xffff;
	_ =	sdelay $0x4  }
0x49: {  	s7 =	rddreg [dreg:$0xa];
	[tilespmem:$0xEAD0] =	vst v0  }
0x4a: {  	[tilespmem:s13], [sflag:$0x1] =	stream.indirect.gather [spmem:s2], $0x40, s7, s12, $0xb8;
	[tilespmem:$0x1B170] =	vst v63  }
0x4b: {  	s7 =	simm.s32 @!p1 $0x8  }
0x4c: {  	_ =	swait.ge @!p1 [sflag:s7], $0x2000  }
0x4d: {  	[sflag:s7] =	ssyncset.done @!p1 $0x0  }
0x4e: {  	[sflag:s7] =	ssyncadd.s32 @!p1 $0xFFFFE000  }
0x4f: {  	v59 =	vld [tilespmem:s4+$0xFFFFFF00];
	_ =	sdelay $0x7  }
0x50: {  	v0 =	vld.idx.msk [tilespmem:v59+s9+$0x0], $0xffff;
	_ =	sdelay $0x4  }
0x51: {  	[tilespmem:$0xEAE0] =	vst v0  }
0x52: {  	v0 =	vld [tilespmem:s4+$0xFFFFFF10];
	_ =	sdelay $0x7  }
0x53: {  	v0 =	vld.idx.msk [tilespmem:v0+s9+$0x0], $0xffff;
	_ =	sdelay $0x4  }
0x54: {  	[tilespmem:$0xEAF0] =	vst v0  }
0x55: {  	v0 =	vld [tilespmem:s4+$0xFFFFFF20];
	_ =	sdelay $0x7  }
0x56: {  	v0 =	vld.idx.msk [tilespmem:v0+s9+$0x0], $0xffff;
	_ =	sdelay $0x4  }
0x57: {  	[tilespmem:$0xEB00] =	vst v0  }
0x58: {  	v0 =	vld [tilespmem:s4+$0xFFFFFF30];
	_ =	sdelay $0x7  }
0x59: {  	v0 =	vld.idx.msk [tilespmem:v0+s9+$0x0], $0xffff;
	_ =	sdelay $0x4  }
0x5a: {  	[tilespmem:$0xEB10] =	vst v0  }
0x5b: {  	v0 =	vld [tilespmem:s4+$0xFFFFFF40];
	_ =	sdelay $0x7  }
0x5c: {  	v0 =	vld.idx.msk [tilespmem:v0+s9+$0x0], $0xffff;
	_ =	sdelay $0x4  }
0x5d: {  	[tilespmem:$0xEB20] =	vst v0  }
0x5e: {  	v0 =	vld [tilespmem:s4+$0xFFFFFF50];
	_ =	sdelay $0x7  }
0x5f: {  	v0 =	vld.idx.msk [tilespmem:v0+s9+$0x0], $0xffff;
	_ =	sdelay $0x4  }
0x60: {  	[tilespmem:$0xEB30] =	vst v0  }
0x61: {  	v0 =	vld [tilespmem:s4+$0xFFFFFF60];
	_ =	sdelay $0x7  }
0x62: {  	v0 =	vld.idx.msk [tilespmem:v0+s9+$0x0], $0xffff;
	_ =	sdelay $0x4  }
0x63: {  	[tilespmem:$0xEB40] =	vst v0  }
0x64: {  	v0 =	vld [tilespmem:s4+$0xFFFFFF70];
	_ =	sdelay $0x7  }
0x65: {  	v0 =	vld.idx.msk [tilespmem:v0+s9+$0x0], $0xffff;
	_ =	sdelay $0x4  }
0x66: {  	s7 =	rddreg [dreg:$0xb];
	[tilespmem:$0xEB50] =	vst v0  }
0x67: {  	[tilespmem:s14], [sflag:$0x2] =	stream.indirect.gather [spmem:s2], $0x40, s7, s12, $0xb8;
	[tilespmem:$0x1B170] =	vst v63  }
0x68: {  	s7 =	simm.s32 @!p1 $0x9  }
0x69: {  	_ =	swait.ge @!p1 [sflag:s7], $0x2000  }
0x6a: {  	[sflag:s7] =	ssyncset.done @!p1 $0x0  }
0x6b: {  	[sflag:s7] =	ssyncadd.s32 @!p1 $0xFFFFE000  }
0x6c: {  	v60 =	vld [tilespmem:s4+$0xFFFFFF80];
	_ =	sdelay $0x7  }
0x6d: {  	v0 =	vld.idx.msk [tilespmem:v60+s9+$0x0], $0xffff;
	_ =	sdelay $0x4  }
0x6e: {  	[tilespmem:$0xEB60] =	vst v0  }
0x6f: {  	v0 =	vld [tilespmem:s4+$0xFFFFFF90];
	_ =	sdelay $0x7  }
0x70: {  	v0 =	vld.idx.msk [tilespmem:v0+s9+$0x0], $0xffff;
	_ =	sdelay $0x4  }
0x71: {  	[tilespmem:$0xEB70] =	vst v0  }
0x72: {  	v0 =	vld [tilespmem:s4+$0xFFFFFFA0];
	_ =	sdelay $0x7  }
0x73: {  	v0 =	vld.idx.msk [tilespmem:v0+s9+$0x0], $0xffff;
	_ =	sdelay $0x4  }
0x74: {  	[tilespmem:$0xEB80] =	vst v0  }
0x75: {  	v0 =	vld [tilespmem:s4+$0xFFFFFFB0];
	_ =	sdelay $0x7  }
0x76: {  	v0 =	vld.idx.msk [tilespmem:v0+s9+$0x0], $0xffff;
	_ =	sdelay $0x4  }
0x77: {  	[tilespmem:$0xEB90] =	vst v0  }
0x78: {  	v0 =	vld [tilespmem:s4+$0xFFFFFFC0];
	_ =	sdelay $0x7  }
0x79: {  	v0 =	vld.idx.msk [tilespmem:v0+s9+$0x0], $0xffff;
	_ =	sdelay $0x4  }
0x7a: {  	[tilespmem:$0xEBA0] =	vst v0  }
0x7b: {  	v0 =	vld [tilespmem:s4+$0xFFFFFFD0];
	_ =	sdelay $0x7  }
0x7c: {  	v0 =	vld.idx.msk [tilespmem:v0+s9+$0x0], $0xffff;
	_ =	sdelay $0x4  }
0x7d: {  	[tilespmem:$0xEBB0] =	vst v0  }
0x7e: {  	v0 =	vld [tilespmem:s4+$0xFFFFFFE0];
	_ =	sdelay $0x7  }
0x7f: {  	v0 =	vld.idx.msk [tilespmem:v0+s9+$0x0], $0xffff;
	_ =	sdelay $0x4  }
0x80: {  	[tilespmem:$0xEBC0] =	vst v0  }
0x81: {  	v0 =	vld [tilespmem:s4+$0xFFFFFFF0];
	_ =	sdelay $0x7  }
0x82: {  	v0 =	vld.idx.msk [tilespmem:v0+s9+$0x0], $0xffff;
	_ =	sdelay $0x4  }
0x83: {  	s7 =	rddreg [dreg:$0xc];
	[tilespmem:$0xEBD0] =	vst v0  }
0x84: {  	[tilespmem:s15], [sflag:$0x3] =	stream.indirect.gather [spmem:s2], $0x40, s7, s12, $0xb8;
	[tilespmem:$0x1B170] =	vst v63  }
0x85: {  	s7 =	simm.s32 @!p1 $0xA  }
0x86: {  	_ =	swait.ge @!p1 [sflag:s7], $0x2000  }
0x87: {  	[sflag:s7] =	ssyncset.done @!p1 $0x0  }
0x88: {  	[sflag:s7] =	ssyncadd.s32 @!p1 $0xFFFFE000  }
0x89: {  	v61 =	vld [tilespmem:s4+$0x0];
	_ =	sdelay $0x7  }
0x8a: {  	v0 =	vld.idx.msk [tilespmem:v61+s9+$0x0], $0xffff;
	_ =	sdelay $0x4  }
0x8b: {  	[tilespmem:$0xEBE0] =	vst v0  }
0x8c: {  	v0 =	vld [tilespmem:s4+$0x10];
	_ =	sdelay $0x7  }
0x8d: {  	v0 =	vld.idx.msk [tilespmem:v0+s9+$0x0], $0xffff;
	_ =	sdelay $0x4  }
0x8e: {  	[tilespmem:$0xEBF0] =	vst v0  }
0x8f: {  	v0 =	vld [tilespmem:s4+$0x20];
	_ =	sdelay $0x7  }
0x90: {  	v0 =	vld.idx.msk [tilespmem:v0+s9+$0x0], $0xffff;
	_ =	sdelay $0x4  }
0x91: {  	[tilespmem:$0xEC00] =	vst v0  }
0x92: {  	v0 =	vld [tilespmem:s4+$0x30];
	_ =	sdelay $0x7  }
0x93: {  	v0 =	vld.idx.msk [tilespmem:v0+s9+$0x0], $0xffff;
	_ =	sdelay $0x4  }
0x94: {  	[tilespmem:$0xEC10] =	vst v0  }
0x95: {  	v0 =	vld [tilespmem:s4+$0x40];
	_ =	sdelay $0x7  }
0x96: {  	v0 =	vld.idx.msk [tilespmem:v0+s9+$0x0], $0xffff;
	_ =	sdelay $0x4  }
0x97: {  	[tilespmem:$0xEC20] =	vst v0  }
0x98: {  	v0 =	vld [tilespmem:s4+$0x50];
	_ =	sdelay $0x7  }
0x99: {  	v0 =	vld.idx.msk [tilespmem:v0+s9+$0x0], $0xffff;
	_ =	sdelay $0x4  }
0x9a: {  	[tilespmem:$0xEC30] =	vst v0  }
0x9b: {  	v0 =	vld [tilespmem:s4+$0x60];
	_ =	sdelay $0x7  }
0x9c: {  	v0 =	vld.idx.msk [tilespmem:v0+s9+$0x0], $0xffff;
	_ =	sdelay $0x4  }
0x9d: {  	[tilespmem:$0xEC40] =	vst v0  }
0x9e: {  	v0 =	vld [tilespmem:s4+$0x70];
	_ =	sdelay $0x7  }
0x9f: {  	v0 =	vld.idx.msk [tilespmem:v0+s9+$0x0], $0xffff;
	_ =	sdelay $0x4  }
0xa0: {  	s7 =	rddreg [dreg:$0xd];
	[tilespmem:$0xEC50] =	vst v0  }
0xa1: {  	[tilespmem:s16], [sflag:$0x4] =	stream.indirect.gather [spmem:s2], $0x40, s7, s12, $0xb8;
	[tilespmem:$0x1B170] =	vst v63  }
0xa2: {  	s7 =	simm.s32 @!p1 $0xB  }
0xa3: {  	_ =	swait.ge @!p1 [sflag:s7], $0x2000  }
0xa4: {  	[sflag:s7] =	ssyncset.done @!p1 $0x0  }
0xa5: {  	[sflag:s7] =	ssyncadd.s32 @!p1 $0xFFFFE000  }
0xa6: {  	v62 =	vld [tilespmem:s4+$0x80];
	_ =	sdelay $0x7  }
0xa7: {  	v0 =	vld.idx.msk [tilespmem:v62+s9+$0x0], $0xffff;
	_ =	sdelay $0x4  }
0xa8: {  	[tilespmem:$0xEC60] =	vst v0  }
0xa9: {  	v0 =	vld [tilespmem:s4+$0x90];
	_ =	sdelay $0x7  }
0xaa: {  	v0 =	vld.idx.msk [tilespmem:v0+s9+$0x0], $0xffff;
	_ =	sdelay $0x4  }
0xab: {  	[tilespmem:$0xEC70] =	vst v0  }
0xac: {  	v0 =	vld [tilespmem:s4+$0xA0];
	_ =	sdelay $0x7  }
0xad: {  	v0 =	vld.idx.msk [tilespmem:v0+s9+$0x0], $0xffff;
	_ =	sdelay $0x4  }
0xae: {  	[tilespmem:$0xEC80] =	vst v0  }
0xaf: {  	v0 =	vld [tilespmem:s4+$0xB0];
	_ =	sdelay $0x7  }
0xb0: {  	v0 =	vld.idx.msk [tilespmem:v0+s9+$0x0], $0xffff;
	_ =	sdelay $0x4  }
0xb1: {  	[tilespmem:$0xEC90] =	vst v0  }
0xb2: {  	v0 =	vld [tilespmem:s4+$0xC0];
	_ =	sdelay $0x7  }
0xb3: {  	v0 =	vld.idx.msk [tilespmem:v0+s9+$0x0], $0xffff;
	_ =	sdelay $0x4  }
0xb4: {  	[tilespmem:$0xECA0] =	vst v0  }
0xb5: {  	v0 =	vld [tilespmem:s4+$0xD0];
	_ =	sdelay $0x7  }
0xb6: {  	v0 =	vld.idx.msk [tilespmem:v0+s9+$0x0], $0xffff;
	_ =	sdelay $0x4  }
0xb7: {  	[tilespmem:$0xECB0] =	vst v0  }
0xb8: {  	v0 =	vld [tilespmem:s4+$0xE0];
	_ =	sdelay $0x7  }
0xb9: {  	v0 =	vld.idx.msk [tilespmem:v0+s9+$0x0], $0xffff;
	_ =	sdelay $0x4  }
0xba: {  	[tilespmem:$0xECC0] =	vst v0  }
0xbb: {  	v0 =	vld [tilespmem:s4+$0xF0];
	_ =	sdelay $0x7  }
0xbc: {  	v0 =	vld.idx.msk [tilespmem:v0+s9+$0x0], $0xffff;
	_ =	sdelay $0x4  }
0xbd: {  	s7 =	rddreg [dreg:$0xe];
	[tilespmem:$0xECD0] =	vst v0  }
0xbe: {  	[tilespmem:s17], [sflag:$0x5] =	stream.indirect.gather [spmem:s2], $0x40, s7, s12, $0xb8;
	[tilespmem:$0x1B170] =	vst v63  }
0xbf: {  	s7 =	simm.s32 @!p1 $0xC  }
0xc0: {  	_ =	swait.ge @!p1 [sflag:s7], $0x2000  }
0xc1: {  	[sflag:s7] =	ssyncset.done @!p1 $0x0  }
0xc2: {  	[sflag:s7] =	ssyncadd.s32 @!p1 $0xFFFFE000  }
0xc3: {  	v63 =	vld [tilespmem:s4+$0x100];
	_ =	sdelay $0x7  }
0xc4: {  	v0 =	vld.idx.msk [tilespmem:v63+s9+$0x0], $0xffff;
	_ =	sdelay $0x4  }
0xc5: {  	[tilespmem:$0xECE0] =	vst v0  }
0xc6: {  	v0 =	vld [tilespmem:s4+$0x110];
	_ =	sdelay $0x7  }
0xc7: {  	v0 =	vld.idx.msk [tilespmem:v0+s9+$0x0], $0xffff;
	_ =	sdelay $0x4  }
0xc8: {  	[tilespmem:$0xECF0] =	vst v0  }
0xc9: {  	v0 =	vld [tilespmem:s4+$0x120];
	_ =	sdelay $0x7  }
0xca: {  	v0 =	vld.idx.msk [tilespmem:v0+s9+$0x0], $0xffff;
	_ =	sdelay $0x4  }
0xcb: {  	[tilespmem:$0xED00] =	vst v0  }
0xcc: {  	v0 =	vld [tilespmem:s4+$0x130];
	_ =	sdelay $0x7  }
0xcd: {  	v0 =	vld.idx.msk [tilespmem:v0+s9+$0x0], $0xffff;
	_ =	sdelay $0x4  }
0xce: {  	[tilespmem:$0xED10] =	vst v0  }
0xcf: {  	v0 =	vld [tilespmem:s4+$0x140];
	_ =	sdelay $0x7  }
0xd0: {  	v0 =	vld.idx.msk [tilespmem:v0+s9+$0x0], $0xffff;
	_ =	sdelay $0x4  }
0xd1: {  	[tilespmem:$0xED20] =	vst v0  }
0xd2: {  	v0 =	vld [tilespmem:s4+$0x150];
	_ =	sdelay $0x7  }
0xd3: {  	v0 =	vld.idx.msk [tilespmem:v0+s9+$0x0], $0xffff;
	_ =	sdelay $0x4  }
0xd4: {  	[tilespmem:$0xED30] =	vst v0  }
0xd5: {  	v0 =	vld [tilespmem:s4+$0x160];
	_ =	sdelay $0x7  }
0xd6: {  	v0 =	vld.idx.msk [tilespmem:v0+s9+$0x0], $0xffff;
	_ =	sdelay $0x4  }
0xd7: {  	[tilespmem:$0xED40] =	vst v0  }
0xd8: {  	v0 =	vld [tilespmem:s4+$0x170];
	_ =	sdelay $0x7  }
0xd9: {  	v0 =	vld.idx.msk [tilespmem:v0+s9+$0x0], $0xffff;
	_ =	sdelay $0x4  }
0xda: {  	[tilespmem:$0xED50] =	vst v0  }
0xdb: {  	[tilespmem:s19], [sflag:$0x6] =	stream.indirect.gather [spmem:s2], $0x40, s18, s12, $0xb8;
	[tilespmem:$0x1B170] =	vst v63  }
0xdc: {  	_ =	swait.ge [sflag:s20], $0x2000  }
0xdd: {  	s7 =	rddreg [dreg:$0x5];
	[sflag:s20] =	ssyncset.done $0x0  }
0xde: {  	[sflag:s20] =	ssyncadd.s32 $0xFFFFE000;
	s7 =	sadd.s32 s6, s7  }
0xdf: {  	[hbm4b:s7+s3] =	stream.linear.scatter [tilespmem:s13], [sflag:$0x7], $0x2000, $0x38;
	[tilespmem:$0x1B170] =	vst v63  }
0xe0: {  	_ =	swait.ge [sflag:s21], $0x2000  }
0xe1: {  	s7 =	rddreg [dreg:$0x8];
	[sflag:s21] =	ssyncset.done $0x0  }
0xe2: {  	[sflag:s21] =	ssyncadd.s32 $0xFFFFE000;
	s7 =	sadd.s32 s6, s7  }
0xe3: {  	[hbm4b:s7+s3] =	stream.linear.scatter [tilespmem:s14], [sflag:$0x8], $0x2000, $0x38;
	[tilespmem:$0x1B170] =	vst v63  }
0xe4: {  	_ =	swait.ge [sflag:s22], $0x2000  }
0xe5: {  	s7 =	rddreg [dreg:$0x9];
	[sflag:s22] =	ssyncset.done $0x0  }
0xe6: {  	[sflag:s22] =	ssyncadd.s32 $0xFFFFE000;
	s7 =	sadd.s32 s6, s7  }
0xe7: {  	[hbm4b:s7+s3] =	stream.linear.scatter [tilespmem:s15], [sflag:$0x9], $0x2000, $0x38;
	[tilespmem:$0x1B170] =	vst v63  }
0xe8: {  	_ =	swait.ge [sflag:s23], $0x2000  }
0xe9: {  	s7 =	rddreg [dreg:$0x7];
	[sflag:s23] =	ssyncset.done $0x0  }
0xea: {  	[sflag:s23] =	ssyncadd.s32 $0xFFFFE000;
	s7 =	sadd.s32 s6, s7  }
0xeb: {  	[hbm4b:s7+s3] =	stream.linear.scatter [tilespmem:s16], [sflag:$0xA], $0x2000, $0x38;
	[tilespmem:$0x1B170] =	vst v63  }
0xec: {  	_ =	swait.ge [sflag:s24], $0x2000  }
0xed: {  	s7 =	rddreg [dreg:$0x6];
	[sflag:s24] =	ssyncset.done $0x0  }
0xee: {  	[sflag:s24] =	ssyncadd.s32 $0xFFFFE000;
	s7 =	sadd.s32 s6, s7  }
0xef: {  	[hbm4b:s7+s3] =	stream.linear.scatter [tilespmem:s17], [sflag:$0xB], $0x2000, $0x38;
	[tilespmem:$0x1B170] =	vst v63  }
0xf0: {  	_ =	swait.ge [sflag:s25], $0x2000  }
0xf1: {  	s7 =	rddreg [dreg:$0x4]  }
0xf2: {  	s7 =	sadd.s32 s6, s7;
	s6 =	sadd.s32 $0x1800, s6  }
0xf3: {  	p1 =	sne.s32 s6, $0x13800  }
.Ltmp0:
0xf4: {  	_ = 	snop;
	(pc) =	sbr.rel @p1 .LBB2_2-.Ltmp0, $4  }
0xf5: {  	_ = 	snop  }
0xf6: {  	[sflag:s25] =	ssyncset.done $0x0  }
0xf7: {  	s4 =	sadd.s32 $0x300, s4;
	[sflag:s25] =	ssyncadd.s32 $0xFFFFE000  }
0xf8: {  	[hbm4b:s7+s3] =	stream.linear.scatter [tilespmem:s19], [sflag:$0xC], $0x2000, $0x38;
	[tilespmem:$0x1B170] =	vst v63  }
0xf9: {  	_ =	swait.ge [sflag:s26], $0x2000  }
0xfa: {  	[sflag:s26] =	ssyncset.done $0x0  }
0xfb: {  	[sflag:s26] =	ssyncadd.s32 $0xFFFFE000  }
0xfc: {  	_ =	swait.ge [sflag:s28], $0x2000  }
0xfd: {  	[sflag:s28] =	ssyncset.done $0x0  }
0xfe: {  	[sflag:s28] =	ssyncadd.s32 $0xFFFFE000  }
0xff: {  	_ =	swait.ge [sflag:s29], $0x2000  }
0x100: {  	[sflag:s29] =	ssyncset.done $0x0  }
0x101: {  	[sflag:s29] =	ssyncadd.s32 $0xFFFFE000  }
0x102: {  	_ =	swait.ge [sflag:s30], $0x2000  }
0x103: {  	[sflag:s30] =	ssyncset.done $0x0  }
0x104: {  	[sflag:s30] =	ssyncadd.s32 $0xFFFFE000  }
0x105: {  	_ =	swait.ge [sflag:s31], $0x2000  }
0x106: {  	[sflag:s31] =	ssyncset.done $0x0  }
0x107: {  	[sflag:s31] =	ssyncadd.s32 $0xFFFFE000  }
0x108: {  	_ =	swait.ge [sflag:s0], $0x2000  }
0x109: {  	[sflag:s0] =	ssyncset.done $0x0  }
0x10a: {  	[sflag:s0] =	ssyncadd.s32 $0xFFFFE000  }
0x10b: {  	v0 =	vld [tilespmem:$0xEA50];
	_ =	sdelay $0x7  }
0x10c: {  	v0 =	vld.idx.msk [tilespmem:v0+s9+$0x0], $0xffff;
	_ =	sdelay $0x4  }
0x10d: {  	s4 =	simm.s32 $0x10;
	s6 =	simm.s32 $0x1AD60;
	[tilespmem:$0x1AD60] =	vst v0  }
0x10e: {  	[tilespmem:s1], [sflag:$0xD] =	stream.indirect.gather [spmem:s2], $0x40, s6, s4, $0xb8;
	[tilespmem:$0x1B170] =	vst v63  }
0x10f: {  	_ =	swait.ge [sflag:s11], $0x400  }
0x110: {  	[sflag:s11] =	ssyncset.done $0x0  }
0x111: {  	s6 =	rddreg [dreg:$0x11];
	[sflag:s11] =	ssyncadd.s32 $0xFFFFFC00  }
0x112: {  	[hbm4b:s6+s3] =	stream.linear.scatter [tilespmem:s1], [sflag:$0xE], $0x400, $0x38;
	[tilespmem:$0x1B170] =	vst v63  }
0x113: {  	_ =	swait.ge [sflag:s10], $0x400  }
0x114: {  	s5 =	sadd.s32 $0x1, s5;
	s7 =	rddreg [dreg:$0x12]  }
0x115: {  	p1 =	sne.s32 s5, s7  }
.Ltmp1:
0x116: {  	_ = 	snop;
	(pc) =	sbr.rel @p1 .LBB2_1-.Ltmp1, $3  }
0x117: {  	_ =	sdelay $0x1  }
0x118: {  	[sflag:s10] =	ssyncset.done $0x0  }
0x119: {  	[sflag:s10] =	ssyncadd.s32 $0xFFFFFC00  }
0x11a: {  	_ =	sfence.sel $0x180000  }
0x11b: {  	[bflag:$0x0] =	sbarrier.arrive $0xFFFF  }
0x11c: {  	_ =	strace $0x90000047  }
0x11d: {  	[bflag:$0x2] =	sbarrier.arrive $0xFFFF  }
0x11e: {  	s0 =	rddreg [dreg:$0x3]  }
0x11f: {  	s0 =	sadd.s32 @!p0 $0x100000, s0  }
0x120: {  	[sflag:s0] =	ssyncadd.tile.s32 @!p0 $0x1;
	_ =	shalt  }
.Lfunc_end2:
_tile_overlayer_lowered:
.L_overlay_start_2:
0x121: {  	(tag) =	ssettag $0x2  }
0x122: {  	s0 =	rddreg [dreg:$0x0];
	s2 =	stileid.u32  }
0x123: {  	s1 =	rddreg [dreg:$0x1];
	p0 =	sne.s32 s2, $0x0  }
0x124: {  	s3 =	rddreg [dreg:$0x2];
	[bflag:$0x3] =	sbarrier.arrive $0xFFFF;
	s2 =	simm.s32 @!p0 $0x1C0E  }
0x125: {  	[timem:s3], [sflag:s2] =	dma.local @!p0 [hbm:s0], s1  }
0x126: {  	s0 =	simm.s32 @!p0 $0xE  }
0x127: {  	_ =	swait.ge @!p0 [sflag:s0], s1  }
0x128: {  	s1 =	ssub.s32 @!p0 $0x0, s1;
	[sflag:s0] =	ssyncset.done @!p0 $0x0  }
0x129: {  	[sflag:s0] =	ssyncadd.s32 @!p0 s1  }
0x12a: {  	[bflag:$0x3] =	sbarrier.arrive $0xFFFF  }
0x12b: {  	_ =	shalt  }

</sc_bundles>
